<compile_context>
chip_gen: v7x
topology: tpu7x:2x2x1
jax: 0.10.2.dev20260603
libtpu: 0.0.44.dev20260713+nightly
codegen_flags: <defaults>
</compile_context>

<pallas_src>
import functools
import math

import jax
import jax.numpy as jnp
from jax import lax
from jax.experimental import pallas as pl
from jax.experimental.pallas import tpu as pltpu
from jax.experimental.pallas import tpu_sc as plsc

N = 10000
K = 32
A_IN = 128
A_OUT = 128
NPHI = 4
NDIST = 4
PD = NPHI * NDIST
SIG_PHI = 2.0 * math.pi / NPHI

NC = 2
NS = 16
NW = NC * NS
NK = N * K
NK_PER_W = NK // NW
R = 1000
AW = A_OUT
CPW = NK_PER_W // R


def _sc_gather_body(y_hbm, idx_hbm, out_hbm, idx_v, rows_v, sem):
    wid = lax.axis_index("s") * NC + lax.axis_index("c")
    base = wid * NK_PER_W

    def chunk(c, _):
        st = base + c * R
        pltpu.sync_copy(idx_hbm.at[pl.ds(st, R)], idx_v)
        cp = pltpu.make_async_copy(y_hbm.at[idx_v], rows_v, sem)
        cp.start()
        cp.wait()
        pltpu.sync_copy(rows_v, out_hbm.at[pl.ds(st, R)])
        return 0

    lax.fori_loop(0, CPW, chunk, 0)


@functools.lru_cache(maxsize=None)
def _get_sc_gather():
    return pl.kernel(
        _sc_gather_body,
        out_type=jax.ShapeDtypeStruct((NK, AW), jnp.int32),
        mesh=plsc.VectorSubcoreMesh(core_axis_name="c", subcore_axis_name="s",
                                    num_cores=NC, num_subcores=NS),
        scratch_types=[
            pltpu.VMEM((R,), jnp.int32),
            pltpu.VMEM((R, AW), jnp.int32),
            pltpu.SemaphoreType.DMA,
        ],
    )


NPRE = 2000


def _prew_body(x_ref, w_ref, y_ref):
    y_ref[...] = jnp.dot(x_ref[...], w_ref[...],
                         preferred_element_type=jnp.float32)


_prew = pl.pallas_call(
    _prew_body,
    grid=(N // NPRE,),
    in_specs=[
        pl.BlockSpec((NPRE, A_IN), lambda i: (i, 0)),
        pl.BlockSpec((A_IN, A_OUT), lambda i: (0, 0)),
    ],
    out_specs=pl.BlockSpec((NPRE, A_OUT), lambda i: (i, 0)),
    out_shape=jax.ShapeDtypeStruct((N, A_OUT), jnp.float32),
)


BN = 200
GRP = 8
NG = BN // GRP


def _tc_body(phis_s, dists_s, sigma_s, dx_ref, dy_ref, g_ref, out_ref):
    dx = dx_ref[...]
    dy = dy_ref[...]
    r = jnp.sqrt(dx * dx + dy * dy + 1e-10)
    theta = jnp.arctan2(dy, dx)
    s = jnp.maximum(sigma_s[0], 1e-10)
    angs = []
    for p in range(NPHI):
        t = theta - phis_s[p] + math.pi
        t = t - jnp.floor(t / (2.0 * math.pi)) * (2.0 * math.pi)
        dphi = t - math.pi
        angs.append(jnp.exp(-0.5 * (dphi / SIG_PHI) ** 2))
    rads = []
    for d in range(NDIST):
        dr = (r - dists_s[d]) / s
        rads.append(jnp.exp(-0.5 * dr * dr))
    ang_t = jnp.stack(angs, axis=1)
    rad_t = jnp.stack(rads, axis=1)
    w4 = ang_t[:, :, None, :] * rad_t[:, None, :, :]
    w_t = w4.reshape(BN, PD, K)
    den = jnp.sum(w_t, axis=2, keepdims=True) + 1e-10
    wn = w_t / den

    ii = lax.broadcasted_iota(jnp.int32, (GRP, GRP), 0)
    jj = lax.broadcasted_iota(jnp.int32, (GRP, GRP), 1)
    eye = jnp.where(ii == jj, 1.0, 0.0).astype(jnp.float32)
    lhs5 = wn.reshape(NG, GRP, PD, 1, K) * eye.reshape(1, GRP, 1, GRP, 1)
    lhs = lhs5.reshape(NG, GRP * PD, GRP * K)
    rhs = g_ref[...].reshape(NG, GRP * K, A_OUT)
    outs = []
    for g in range(NG):
        outs.append(jnp.dot(lhs[g], rhs[g],
                            preferred_element_type=jnp.float32))
    out = jnp.stack(outs, axis=0)
    out_ref[...] = out.reshape(BN, PD, A_OUT)


_tc_agg = pl.pallas_call(
    _tc_body,
    grid=(N // BN,),
    in_specs=[
        pl.BlockSpec(memory_space=pltpu.SMEM),
        pl.BlockSpec(memory_space=pltpu.SMEM),
        pl.BlockSpec(memory_space=pltpu.SMEM),
        pl.BlockSpec((BN, K), lambda i: (i, 0)),
        pl.BlockSpec((BN, K), lambda i: (i, 0)),
        pl.BlockSpec((BN, K, A_OUT), lambda i: (i, 0, 0)),
    ],
    out_specs=pl.BlockSpec((BN, PD, A_OUT), lambda i: (i, 0, 0)),
    out_shape=jax.ShapeDtypeStruct((N, PD, A_OUT), jnp.float32),
)


def kernel(x, nh_idx, coords_rel, phis, dists, sigma, W_lin):
    x2d = x.reshape(N, A_IN)
    y = _prew(x2d, W_lin)
    y_pack = lax.bitcast_convert_type(y, jnp.int32)
    flat_idx = nh_idx.reshape(NK).astype(jnp.int32)
    g = _get_sc_gather()(y_pack, flat_idx)
    g_bf = lax.bitcast_convert_type(g, jnp.float32).reshape(N, K, A_OUT)
    dx = coords_rel[:, :, 0]
    dy = coords_rel[:, :, 1]
    out = _tc_agg(phis, dists, sigma, dx, dy, g_bf)
    return out.reshape(1, N, NPHI, NDIST, 1, A_OUT)

# --- scband reference (transcript-rebuilt; emitter-appended) ---
"""Pipeline reference for scband-pol-normal-no-layer-17901423689752 (READ-ONLY COPY).

The authoritative reference and input builder live on the scoring server;
editing this copy changes nothing except your own understanding.
"""

import jax, jax.numpy as jnp
import numpy as np
import math

B = 1
N = 10000
K = 32
NV = 1
A_IN = 128
A_OUT = 128
NPHI = 4
NDIST = 4


def setup_inputs(seed: int = 0) -> dict:
    key = jax.random.key(seed)
    k1, k2, k3, k4 = jax.random.split(key, 4)
    x = jax.random.normal(k1, (B, N, NV, A_IN), dtype=jnp.float32)
    nh_idx = jax.random.randint(k2, (N, K), 0, N)
    coords_rel = jax.random.normal(k3, (N, K, 2), dtype=jnp.float32)
    # learned polar-normal basis params (as in polNormal_NoLayer.__init__)
    phis = jnp.linspace(-jnp.pi, jnp.pi, NPHI + 1)[:-1].astype(jnp.float32)
    max_dist_fac = 1.0  # global_level_no - global_level_in
    dists = (max_dist_fac * jnp.arange(1, 2 * NDIST, 2, dtype=jnp.float32) / (NDIST * 2))
    sigma = jnp.array([1.0 / (2 * NDIST * math.sqrt(2 * math.log(2)))], dtype=jnp.float32)
    W_lin = jax.random.normal(k4, (A_IN, A_OUT), dtype=jnp.float32) * (1.0 / math.sqrt(A_IN))
    return {"x": x, "nh_idx": nh_idx, "coords_rel": coords_rel, "phis": phis, "dists": dists, "sigma": sigma, "W_lin": W_lin}


def reference(x, nh_idx, coords_rel, phis, dists, sigma, W_lin):
    # neighborhood gather (grid_layer.get_nh): message-passing gather of node features
    x_nh = jnp.take(x, nh_idx.reshape(-1), axis=1).reshape(B, N, K, NV, A_IN)
    # relative cartesian coords -> polar (coord_system handling in RelativeCoordinateManager)
    dx = coords_rel[..., 0]
    dy = coords_rel[..., 1]
    r = jnp.sqrt(dx * dx + dy * dy + 1e-10)
    theta = jnp.arctan2(dy, dx)
    # angular Gaussian basis over n_phi directions (wrapped)
    dphi = theta[..., None] - phis  # [N,K,NPHI]
    dphi = jnp.mod(dphi + jnp.pi, 2 * jnp.pi) - jnp.pi
    sig_phi = 2 * jnp.pi / NPHI
    ang = jnp.exp(-0.5 * (dphi / sig_phi) ** 2)
    # radial Gaussian basis over n_dist rings with learnable sigma
    dr = r[..., None] - dists  # [N,K,NDIST]
    s = jnp.maximum(sigma[0], 1e-10)  # min_sigma clamp
    rad = jnp.exp(-0.5 * (dr / s) ** 2)
    # separable polar-normal weights [N,K,NPHI,NDIST], normalized over neighborhood
    w = ang[:, :, :, None] * rad[:, :, None, :]
    w = w / (jnp.sum(w, axis=1, keepdims=True) + 1e-10)
    # project node amplitudes onto the normal-basis grid (transform_)
    agg = jnp.einsum('nkpd,bnkva->bnpdva', w, x_nh)
    # amplitude mixing lin_layer (bias-free); proc_layer is Identity when no avg dims
    out = jnp.einsum('bnpdva,ao->bnpdvo', agg, W_lin)
    return out

if __name__ == "__main__":
    import jax
    _d = setup_inputs()
    print(jax.jit(kernel)(*tuple(_d.values())))

</pallas_src>

<mosaic_0001>
#map = affine_map<(d0, d1) -> (0, 0)>
#map1 = affine_map<(d0, d1) -> (0)>
module attributes {stable_mosaic.version = 14 : i64} {
  func.func @_sc_gather_body(%arg0: i32, %arg1: i32, %arg2: memref<10000x128xi32, #tpu.memory_space<hbm>>, %arg3: memref<320000xi32, #tpu.memory_space<hbm>>, %arg4: memref<320000x128xi32, #tpu.memory_space<hbm>>, %arg5: memref<1000xi32, #tpu.memory_space<vmem>>, %arg6: memref<1000x128xi32, #tpu.memory_space<vmem>>, %arg7: memref<!tpu.dma_semaphore, #tpu.memory_space<semaphore_mem>>) attributes {dimension_semantics = [#tpu.dimension_semantics<core_parallel>, #tpu.dimension_semantics<subcore_parallel>], iteration_bounds = array<i64: 2, 16>, scalar_prefetch = 0 : i64, scratch_operands = 3 : i64, tpu.core_type = #tpu.core_type<sc_vector_subcore>, window_params = [{transform_indices = #map}, {transform_indices = #map1}, {transform_indices = #map}]} {
    %mul3A = arith.constant 2 : i32
    %mul3A_0 = arith.muli %arg1, %mul3A : i32
    %add3A = arith.addi %mul3A_0, %arg0 : i32
    %mul3A_1 = arith.constant 10000 : i32
    %mul3A_2 = arith.muli %add3A, %mul3A_1 : i32
    %scan3A = arith.constant 0 : i32
    %scan3A_3 = arith.constant 0 : i32
    %scan3A_4 = arith.constant 10 : i32
    %scan3A_5 = arith.addi %scan3A_3, %scan3A_4 : i32
    %scan3A_6 = arith.constant 1 : i32
    %scan3A_7 = scf.for %scan3A_9 = %scan3A_3 to %scan3A_5 step %scan3A_6 iter_args(%scan3A_10 = %scan3A) -> (i32)  : i32 {
      %mul3A_11 = arith.constant 1000 : i32
      %mul3A_12 = arith.muli %scan3A_9, %mul3A_11 : i32
      %add3A_13 = arith.addi %mul3A_2, %mul3A_12 : i32
      "tpu.region"() ({
        %run_scoped3A = tpu.sem_alloc : memref<!tpu.dma_semaphore, #tpu.memory_space<semaphore_mem>>
        %dma_start3A_19 = tpu.memref_slice %arg3[%add3A_13] : memref<320000xi32, #tpu.memory_space<hbm>> -> memref<1000xi32, #tpu.memory_space<hbm>>
        %dma_start3A_20 = tpu.memref_slice %arg3[%add3A_13] : memref<320000xi32, #tpu.memory_space<hbm>> -> memref<1000xi32, #tpu.memory_space<hbm>>
        tpu.enqueue_dma source(%dma_start3A_20 : memref<1000xi32, #tpu.memory_space<hbm>>) target(%arg5 : memref<1000xi32, #tpu.memory_space<vmem>>) target_semaphore(%run_scoped3A : memref<!tpu.dma_semaphore, #tpu.memory_space<semaphore_mem>>)
        %dma_wait3A_21 = tpu.memref_slice %arg3[%add3A_13] : memref<320000xi32, #tpu.memory_space<hbm>> -> memref<1000xi32, #tpu.memory_space<hbm>>
        %dma_wait3A_22 = tpu.memref_slice %arg3[%add3A_13] : memref<320000xi32, #tpu.memory_space<hbm>> -> memref<1000xi32, #tpu.memory_space<hbm>>
        tpu.wait_dma2 semaphore(%run_scoped3A : memref<!tpu.dma_semaphore, #tpu.memory_space<semaphore_mem>>) src(%dma_wait3A_22 : memref<1000xi32, #tpu.memory_space<hbm>>) dst(%arg5 : memref<1000xi32, #tpu.memory_space<vmem>>)
        tpu.yield
      }) : () -> ()
      %dma_start3A = arith.constant 0 : i32
      %dma_start3A_14 = arith.constant 0 : i32
      %dma_start3A_15 = tpu.memref_slice %arg2[%dma_start3A, %dma_start3A_14] : memref<10000x128xi32, #tpu.memory_space<hbm>> -> memref<10000x128xi32, #tpu.memory_space<hbm>>
      tpu.enqueue_indirect_dma source(%dma_start3A_15 : memref<10000x128xi32, #tpu.memory_space<hbm>>) target(%arg6 : memref<1000x128xi32, #tpu.memory_space<vmem>>) offsets(%arg5 : memref<1000xi32, #tpu.memory_space<vmem>>) semaphore(%arg7 : memref<!tpu.dma_semaphore, #tpu.memory_space<semaphore_mem>>)
      %dma_wait3A = arith.constant 0 : i32
      %dma_wait3A_16 = arith.constant 0 : i32
      %dma_wait3A_17 = tpu.memref_slice %arg2[%dma_wait3A, %dma_wait3A_16] : memref<10000x128xi32, #tpu.memory_space<hbm>> -> memref<10000x128xi32, #tpu.memory_space<hbm>>
      tpu.wait_indirect_dma semaphore(%arg7 : memref<!tpu.dma_semaphore, #tpu.memory_space<semaphore_mem>>) src(%dma_wait3A_17 : memref<10000x128xi32, #tpu.memory_space<hbm>>) dst(%arg6 : memref<1000x128xi32, #tpu.memory_space<vmem>>)
      "tpu.region"() ({
        %run_scoped3A = tpu.sem_alloc : memref<!tpu.dma_semaphore, #tpu.memory_space<semaphore_mem>>
        %dma_start3A_19 = arith.constant 0 : i32
        %dma_start3A_20 = tpu.memref_slice %arg4[%add3A_13, %dma_start3A_19] : memref<320000x128xi32, #tpu.memory_space<hbm>> -> memref<1000x128xi32, #tpu.memory_space<hbm>>
        %dma_start3A_21 = arith.constant 0 : i32
        %dma_start3A_22 = tpu.memref_slice %arg4[%add3A_13, %dma_start3A_21] : memref<320000x128xi32, #tpu.memory_space<hbm>> -> memref<1000x128xi32, #tpu.memory_space<hbm>>
        tpu.enqueue_dma source(%arg6 : memref<1000x128xi32, #tpu.memory_space<vmem>>) target(%dma_start3A_22 : memref<1000x128xi32, #tpu.memory_space<hbm>>) target_semaphore(%run_scoped3A : memref<!tpu.dma_semaphore, #tpu.memory_space<semaphore_mem>>)
        %dma_wait3A_23 = arith.constant 0 : i32
        %dma_wait3A_24 = tpu.memref_slice %arg4[%add3A_13, %dma_wait3A_23] : memref<320000x128xi32, #tpu.memory_space<hbm>> -> memref<1000x128xi32, #tpu.memory_space<hbm>>
        %dma_wait3A_25 = arith.constant 0 : i32
        %dma_wait3A_26 = tpu.memref_slice %arg4[%add3A_13, %dma_wait3A_25] : memref<320000x128xi32, #tpu.memory_space<hbm>> -> memref<1000x128xi32, #tpu.memory_space<hbm>>
        tpu.wait_dma2 semaphore(%run_scoped3A : memref<!tpu.dma_semaphore, #tpu.memory_space<semaphore_mem>>) src(%arg6 : memref<1000x128xi32, #tpu.memory_space<vmem>>) dst(%dma_wait3A_26 : memref<1000x128xi32, #tpu.memory_space<hbm>>)
        tpu.yield
      }) : () -> ()
      %scan3A_18 = arith.constant 0 : i32
      scf.yield %scan3A_18 : i32
    }
    %scan3A_8 = arith.constant 10 : i32
    return
  }
}

module attributes {stable_mosaic.version = 14 : i64} {
  func.func @_prew_body(%arg0: i32, %arg1: memref<2000x128xf32, #tpu.memory_space<vmem>>, %arg2: memref<128x128xf32, #tpu.memory_space<vmem>>, %arg3: memref<2000x128xf32, #tpu.memory_space<vmem>>) attributes {dimension_semantics = [#tpu.dimension_semantics<arbitrary>], iteration_bounds = array<i64: 5>, scalar_prefetch = 0 : i64, scratch_operands = 0 : i64, tpu.core_type = #tpu.core_type<tc>, window_params = [{transform_indices = @transform_0, window_bounds = array<i64: 2000, 128>}, {pipeline_mode = #tpu.pipeline_mode<synchronous>, transform_indices = @transform_1, window_bounds = array<i64: 128, 128>}, {transform_indices = @transform_2, window_bounds = array<i64: 2000, 128>}]} {
    %get3A = arith.constant 0 : index
    %get3A_0 = arith.constant 0 : index
    %get3A_1 = vector.load %arg1[%get3A, %get3A_0] : memref<2000x128xf32, #tpu.memory_space<vmem>>, vector<2000x128xf32>
    %get3A_2 = arith.constant 0 : index
    %get3A_3 = arith.constant 0 : index
    %get3A_4 = vector.load %arg2[%get3A_2, %get3A_3] : memref<128x128xf32, #tpu.memory_space<vmem>>, vector<128x128xf32>
    %dot_general3A = arith.constant dense<0.000000e+00> : vector<2000x128xf32>
    %dot_general3A_5 = tpu.matmul %get3A_1, %get3A_4, %dot_general3A {dimension_numbers = #tpu.dot_dimension_numbers<[1], [0], [0], [1], [0, 0, 1, 1], [], []>, transpose_lhs_hint = false} : vector<2000x128xf32>, vector<128x128xf32>, vector<2000x128xf32> -> vector<2000x128xf32>
    %swap3A = arith.constant 0 : index
    %swap3A_6 = arith.constant 0 : index
    %swap3A_7 = vector.load %arg3[%swap3A, %swap3A_6] : memref<2000x128xf32, #tpu.memory_space<vmem>>, vector<2000x128xf32>
    tpu.vector_store %arg3[%swap3A, %swap3A_6], %dot_general3A_5 {strides = array<i32>} : memref<2000x128xf32, #tpu.memory_space<vmem>>, vector<2000x128xf32>,
    return
  }
  func.func @transform_0(%arg0: i32) -> (i32, i32) {
    %c0_i32 = arith.constant 0 : i32
    %c0_i32_0 = arith.constant 0 : i32
    return %arg0, %c0_i32 : i32, i32
  }
  func.func @transform_1(%arg0: i32) -> (i32, i32) {
    %c0_i32 = arith.constant 0 : i32
    %c0_i32_0 = arith.constant 0 : i32
    %c0_i32_1 = arith.constant 0 : i32
    return %c0_i32, %c0_i32_0 : i32, i32
  }
  func.func @transform_2(%arg0: i32) -> (i32, i32) {
    %c0_i32 = arith.constant 0 : i32
    %c0_i32_0 = arith.constant 0 : i32
    return %arg0, %c0_i32 : i32, i32
  }
}

module attributes {stable_mosaic.version = 14 : i64} {
  func.func @_tc_body(%arg0: i32, %arg1: memref<4xf32, #tpu.memory_space<smem>>, %arg2: memref<4xf32, #tpu.memory_space<smem>>, %arg3: memref<1xf32, #tpu.memory_space<smem>>, %arg4: memref<200x32xf32, #tpu.memory_space<vmem>>, %arg5: memref<200x32xf32, #tpu.memory_space<vmem>>, %arg6: memref<200x32x128xf32, #tpu.memory_space<vmem>>, %arg7: memref<200x16x128xf32, #tpu.memory_space<vmem>>) attributes {dimension_semantics = [#tpu.dimension_semantics<arbitrary>], iteration_bounds = array<i64: 50>, scalar_prefetch = 0 : i64, scratch_operands = 0 : i64, tpu.core_type = #tpu.core_type<tc>, window_params = [{transform_indices = @transform_0, window_bounds = array<i64: 4>}, {transform_indices = @transform_1, window_bounds = array<i64: 4>}, {transform_indices = @transform_2, window_bounds = array<i64: 1>}, {transform_indices = @transform_3, window_bounds = array<i64: 200, 32>}, {transform_indices = @transform_4, window_bounds = array<i64: 200, 32>}, {transform_indices = @transform_5, window_bounds = array<i64: 200, 32, 128>}, {transform_indices = @transform_6, window_bounds = array<i64: 200, 16, 128>}]} {
    %get3A = arith.constant 0 : index
    %get3A_0 = arith.constant 0 : index
    %get3A_1 = vector.load %arg4[%get3A, %get3A_0] : memref<200x32xf32, #tpu.memory_space<vmem>>, vector<200x32xf32>
    %get3A_2 = arith.constant 0 : index
    %get3A_3 = arith.constant 0 : index
    %get3A_4 = vector.load %arg5[%get3A_2, %get3A_3] : memref<200x32xf32, #tpu.memory_space<vmem>>, vector<200x32xf32>
    %mul3A = arith.mulf %get3A_1, %get3A_1 : vector<200x32xf32>
    %mul3A_5 = arith.mulf %get3A_4, %get3A_4 : vector<200x32xf32>
    %add3A = arith.addf %mul3A, %mul3A_5 : vector<200x32xf32>
    %add3A_6 = arith.constant 1.000000e-10 : f32
    %add3A_7 = vector.broadcast %add3A_6 : f32 to vector<200x32xf32>
    %add3A_8 = arith.addf %add3A, %add3A_7 : vector<200x32xf32>
    %sqrt3A = math.sqrt %add3A_8 : vector<200x32xf32>
    %atan23A = math.atan2 %get3A_4, %get3A_1 : vector<200x32xf32>
    %get3A_9 = arith.constant 0 : index
    %get3A_10 = memref.load %arg3[%get3A_9] : memref<1xf32, #tpu.memory_space<smem>>
    %max3A = arith.constant 1.000000e-10 : f32
    %max3A_11 = arith.maximumf %get3A_10, %max3A : f32
    %get3A_12 = arith.constant 0 : index
    %get3A_13 = memref.load %arg1[%get3A_12] : memref<4xf32, #tpu.memory_space<smem>>
    %sub3A = vector.broadcast %get3A_13 : f32 to vector<200x32xf32>
    %sub3A_14 = arith.subf %atan23A, %sub3A : vector<200x32xf32>
    %add3A_15 = arith.constant 3.14159274 : f32
    %add3A_16 = vector.broadcast %add3A_15 : f32 to vector<200x32xf32>
    %add3A_17 = arith.addf %sub3A_14, %add3A_16 : vector<200x32xf32>
    %div3A = arith.constant 6.28318548 : f32
    %div3A_18 = vector.broadcast %div3A : f32 to vector<200x32xf32>
    %div3A_19 = arith.divf %add3A_17, %div3A_18 : vector<200x32xf32>
    %floor3A = math.floor %div3A_19 : vector<200x32xf32>
    %mul3A_20 = arith.constant 6.28318548 : f32
    %mul3A_21 = vector.broadcast %mul3A_20 : f32 to vector<200x32xf32>
    %mul3A_22 = arith.mulf %floor3A, %mul3A_21 : vector<200x32xf32>
    %sub3A_23 = arith.subf %add3A_17, %mul3A_22 : vector<200x32xf32>
    %sub3A_24 = arith.constant 3.14159274 : f32
    %sub3A_25 = vector.broadcast %sub3A_24 : f32 to vector<200x32xf32>
    %sub3A_26 = arith.subf %sub3A_23, %sub3A_25 : vector<200x32xf32>
    %div3A_27 = arith.constant 1.57079637 : f32
    %div3A_28 = vector.broadcast %div3A_27 : f32 to vector<200x32xf32>
    %div3A_29 = arith.divf %sub3A_26, %div3A_28 : vector<200x32xf32>
    %integer_pow3A = arith.mulf %div3A_29, %div3A_29 : vector<200x32xf32>
    %mul3A_30 = arith.constant -5.000000e-01 : f32
    %mul3A_31 = vector.broadcast %mul3A_30 : f32 to vector<200x32xf32>
    %mul3A_32 = arith.mulf %mul3A_31, %integer_pow3A : vector<200x32xf32>
    %exp3A = math.exp %mul3A_32 : vector<200x32xf32>
    %get3A_33 = arith.constant 1 : index
    %get3A_34 = memref.load %arg1[%get3A_33] : memref<4xf32, #tpu.memory_space<smem>>
    %sub3A_35 = vector.broadcast %get3A_34 : f32 to vector<200x32xf32>
    %sub3A_36 = arith.subf %atan23A, %sub3A_35 : vector<200x32xf32>
    %add3A_37 = arith.constant 3.14159274 : f32
    %add3A_38 = vector.broadcast %add3A_37 : f32 to vector<200x32xf32>
    %add3A_39 = arith.addf %sub3A_36, %add3A_38 : vector<200x32xf32>
    %div3A_40 = arith.constant 6.28318548 : f32
    %div3A_41 = vector.broadcast %div3A_40 : f32 to vector<200x32xf32>
    %div3A_42 = arith.divf %add3A_39, %div3A_41 : vector<200x32xf32>
    %floor3A_43 = math.floor %div3A_42 : vector<200x32xf32>
    %mul3A_44 = arith.constant 6.28318548 : f32
    %mul3A_45 = vector.broadcast %mul3A_44 : f32 to vector<200x32xf32>
    %mul3A_46 = arith.mulf %floor3A_43, %mul3A_45 : vector<200x32xf32>
    %sub3A_47 = arith.subf %add3A_39, %mul3A_46 : vector<200x32xf32>
    %sub3A_48 = arith.constant 3.14159274 : f32
    %sub3A_49 = vector.broadcast %sub3A_48 : f32 to vector<200x32xf32>
    %sub3A_50 = arith.subf %sub3A_47, %sub3A_49 : vector<200x32xf32>
    %div3A_51 = arith.constant 1.57079637 : f32
    %div3A_52 = vector.broadcast %div3A_51 : f32 to vector<200x32xf32>
    %div3A_53 = arith.divf %sub3A_50, %div3A_52 : vector<200x32xf32>
    %integer_pow3A_54 = arith.mulf %div3A_53, %div3A_53 : vector<200x32xf32>
    %mul3A_55 = arith.constant -5.000000e-01 : f32
    %mul3A_56 = vector.broadcast %mul3A_55 : f32 to vector<200x32xf32>
    %mul3A_57 = arith.mulf %mul3A_56, %integer_pow3A_54 : vector<200x32xf32>
    %exp3A_58 = math.exp %mul3A_57 : vector<200x32xf32>
    %get3A_59 = arith.constant 2 : index
    %get3A_60 = memref.load %arg1[%get3A_59] : memref<4xf32, #tpu.memory_space<smem>>
    %sub3A_61 = vector.broadcast %get3A_60 : f32 to vector<200x32xf32>
    %sub3A_62 = arith.subf %atan23A, %sub3A_61 : vector<200x32xf32>
    %add3A_63 = arith.constant 3.14159274 : f32
    %add3A_64 = vector.broadcast %add3A_63 : f32 to vector<200x32xf32>
    %add3A_65 = arith.addf %sub3A_62, %add3A_64 : vector<200x32xf32>
    %div3A_66 = arith.constant 6.28318548 : f32
    %div3A_67 = vector.broadcast %div3A_66 : f32 to vector<200x32xf32>
    %div3A_68 = arith.divf %add3A_65, %div3A_67 : vector<200x32xf32>
    %floor3A_69 = math.floor %div3A_68 : vector<200x32xf32>
    %mul3A_70 = arith.constant 6.28318548 : f32
    %mul3A_71 = vector.broadcast %mul3A_70 : f32 to vector<200x32xf32>
    %mul3A_72 = arith.mulf %floor3A_69, %mul3A_71 : vector<200x32xf32>
    %sub3A_73 = arith.subf %add3A_65, %mul3A_72 : vector<200x32xf32>
    %sub3A_74 = arith.constant 3.14159274 : f32
    %sub3A_75 = vector.broadcast %sub3A_74 : f32 to vector<200x32xf32>
    %sub3A_76 = arith.subf %sub3A_73, %sub3A_75 : vector<200x32xf32>
    %div3A_77 = arith.constant 1.57079637 : f32
    %div3A_78 = vector.broadcast %div3A_77 : f32 to vector<200x32xf32>
    %div3A_79 = arith.divf %sub3A_76, %div3A_78 : vector<200x32xf32>
    %integer_pow3A_80 = arith.mulf %div3A_79, %div3A_79 : vector<200x32xf32>
    %mul3A_81 = arith.constant -5.000000e-01 : f32
    %mul3A_82 = vector.broadcast %mul3A_81 : f32 to vector<200x32xf32>
    %mul3A_83 = arith.mulf %mul3A_82, %integer_pow3A_80 : vector<200x32xf32>
    %exp3A_84 = math.exp %mul3A_83 : vector<200x32xf32>
    %get3A_85 = arith.constant 3 : index
    %get3A_86 = memref.load %arg1[%get3A_85] : memref<4xf32, #tpu.memory_space<smem>>
    %sub3A_87 = vector.broadcast %get3A_86 : f32 to vector<200x32xf32>
    %sub3A_88 = arith.subf %atan23A, %sub3A_87 : vector<200x32xf32>
    %add3A_89 = arith.constant 3.14159274 : f32
    %add3A_90 = vector.broadcast %add3A_89 : f32 to vector<200x32xf32>
    %add3A_91 = arith.addf %sub3A_88, %add3A_90 : vector<200x32xf32>
    %div3A_92 = arith.constant 6.28318548 : f32
    %div3A_93 = vector.broadcast %div3A_92 : f32 to vector<200x32xf32>
    %div3A_94 = arith.divf %add3A_91, %div3A_93 : vector<200x32xf32>
    %floor3A_95 = math.floor %div3A_94 : vector<200x32xf32>
    %mul3A_96 = arith.constant 6.28318548 : f32
    %mul3A_97 = vector.broadcast %mul3A_96 : f32 to vector<200x32xf32>
    %mul3A_98 = arith.mulf %floor3A_95, %mul3A_97 : vector<200x32xf32>
    %sub3A_99 = arith.subf %add3A_91, %mul3A_98 : vector<200x32xf32>
    %sub3A_100 = arith.constant 3.14159274 : f32
    %sub3A_101 = vector.broadcast %sub3A_100 : f32 to vector<200x32xf32>
    %sub3A_102 = arith.subf %sub3A_99, %sub3A_101 : vector<200x32xf32>
    %div3A_103 = arith.constant 1.57079637 : f32
    %div3A_104 = vector.broadcast %div3A_103 : f32 to vector<200x32xf32>
    %div3A_105 = arith.divf %sub3A_102, %div3A_104 : vector<200x32xf32>
    %integer_pow3A_106 = arith.mulf %div3A_105, %div3A_105 : vector<200x32xf32>
    %mul3A_107 = arith.constant -5.000000e-01 : f32
    %mul3A_108 = vector.broadcast %mul3A_107 : f32 to vector<200x32xf32>
    %mul3A_109 = arith.mulf %mul3A_108, %integer_pow3A_106 : vector<200x32xf32>
    %exp3A_110 = math.exp %mul3A_109 : vector<200x32xf32>
    %get3A_111 = arith.constant 0 : index
    %get3A_112 = memref.load %arg2[%get3A_111] : memref<4xf32, #tpu.memory_space<smem>>
    %sub3A_113 = vector.broadcast %get3A_112 : f32 to vector<200x32xf32>
    %sub3A_114 = arith.subf %sqrt3A, %sub3A_113 : vector<200x32xf32>
    %div3A_115 = vector.broadcast %max3A_11 : f32 to vector<200x32xf32>
    %div3A_116 = arith.divf %sub3A_114, %div3A_115 : vector<200x32xf32>
    %mul3A_117 = arith.constant -5.000000e-01 : f32
    %mul3A_118 = vector.broadcast %mul3A_117 : f32 to vector<200x32xf32>
    %mul3A_119 = arith.mulf %mul3A_118, %div3A_116 : vector<200x32xf32>
    %mul3A_120 = arith.mulf %mul3A_119, %div3A_116 : vector<200x32xf32>
    %exp3A_121 = math.exp %mul3A_120 : vector<200x32xf32>
    %get3A_122 = arith.constant 1 : index
    %get3A_123 = memref.load %arg2[%get3A_122] : memref<4xf32, #tpu.memory_space<smem>>
    %sub3A_124 = vector.broadcast %get3A_123 : f32 to vector<200x32xf32>
    %sub3A_125 = arith.subf %sqrt3A, %sub3A_124 : vector<200x32xf32>
    %div3A_126 = vector.broadcast %max3A_11 : f32 to vector<200x32xf32>
    %div3A_127 = arith.divf %sub3A_125, %div3A_126 : vector<200x32xf32>
    %mul3A_128 = arith.constant -5.000000e-01 : f32
    %mul3A_129 = vector.broadcast %mul3A_128 : f32 to vector<200x32xf32>
    %mul3A_130 = arith.mulf %mul3A_129, %div3A_127 : vector<200x32xf32>
    %mul3A_131 = arith.mulf %mul3A_130, %div3A_127 : vector<200x32xf32>
    %exp3A_132 = math.exp %mul3A_131 : vector<200x32xf32>
    %get3A_133 = arith.constant 2 : index
    %get3A_134 = memref.load %arg2[%get3A_133] : memref<4xf32, #tpu.memory_space<smem>>
    %sub3A_135 = vector.broadcast %get3A_134 : f32 to vector<200x32xf32>
    %sub3A_136 = arith.subf %sqrt3A, %sub3A_135 : vector<200x32xf32>
    %div3A_137 = vector.broadcast %max3A_11 : f32 to vector<200x32xf32>
    %div3A_138 = arith.divf %sub3A_136, %div3A_137 : vector<200x32xf32>
    %mul3A_139 = arith.constant -5.000000e-01 : f32
    %mul3A_140 = vector.broadcast %mul3A_139 : f32 to vector<200x32xf32>
    %mul3A_141 = arith.mulf %mul3A_140, %div3A_138 : vector<200x32xf32>
    %mul3A_142 = arith.mulf %mul3A_141, %div3A_138 : vector<200x32xf32>
    %exp3A_143 = math.exp %mul3A_142 : vector<200x32xf32>
    %get3A_144 = arith.constant 3 : index
    %get3A_145 = memref.load %arg2[%get3A_144] : memref<4xf32, #tpu.memory_space<smem>>
    %sub3A_146 = vector.broadcast %get3A_145 : f32 to vector<200x32xf32>
    %sub3A_147 = arith.subf %sqrt3A, %sub3A_146 : vector<200x32xf32>
    %div3A_148 = vector.broadcast %max3A_11 : f32 to vector<200x32xf32>
    %div3A_149 = arith.divf %sub3A_147, %div3A_148 : vector<200x32xf32>
    %mul3A_150 = arith.constant -5.000000e-01 : f32
    %mul3A_151 = vector.broadcast %mul3A_150 : f32 to vector<200x32xf32>
    %mul3A_152 = arith.mulf %mul3A_151, %div3A_149 : vector<200x32xf32>
    %mul3A_153 = arith.mulf %mul3A_152, %div3A_149 : vector<200x32xf32>
    %exp3A_154 = math.exp %mul3A_153 : vector<200x32xf32>
    %stack3A = vector.shape_cast %exp3A : vector<200x32xf32> to vector<200x1x32xf32>
    %stack3A_155 = vector.shape_cast %exp3A_58 : vector<200x32xf32> to vector<200x1x32xf32>
    %stack3A_156 = vector.shape_cast %exp3A_84 : vector<200x32xf32> to vector<200x1x32xf32>
    %stack3A_157 = vector.shape_cast %exp3A_110 : vector<200x32xf32> to vector<200x1x32xf32>
    %stack3A_158 = tpu.concatenate %stack3A, %stack3A_155, %stack3A_156, %stack3A_157 in 1 : vector<200x1x32xf32>, vector<200x1x32xf32>, vector<200x1x32xf32>, vector<200x1x32xf32> -> vector<200x4x32xf32>
    %stack3A_159 = vector.shape_cast %exp3A_121 : vector<200x32xf32> to vector<200x1x32xf32>
    %stack3A_160 = vector.shape_cast %exp3A_132 : vector<200x32xf32> to vector<200x1x32xf32>
    %stack3A_161 = vector.shape_cast %exp3A_143 : vector<200x32xf32> to vector<200x1x32xf32>
    %stack3A_162 = vector.shape_cast %exp3A_154 : vector<200x32xf32> to vector<200x1x32xf32>
    %stack3A_163 = tpu.concatenate %stack3A_159, %stack3A_160, %stack3A_161, %stack3A_162 in 1 : vector<200x1x32xf32>, vector<200x1x32xf32>, vector<200x1x32xf32>, vector<200x1x32xf32> -> vector<200x4x32xf32>
    %broadcast_in_dim3A = vector.shape_cast %stack3A_158 : vector<200x4x32xf32> to vector<200x4x1x32xf32>
    %broadcast_in_dim3A_164 = vector.shape_cast %stack3A_163 : vector<200x4x32xf32> to vector<200x1x4x32xf32>
    %mul3A_165 = vector.broadcast %broadcast_in_dim3A : vector<200x4x1x32xf32> to vector<200x4x4x32xf32>
    %mul3A_166 = vector.broadcast %broadcast_in_dim3A_164 : vector<200x1x4x32xf32> to vector<200x4x4x32xf32>
    %mul3A_167 = arith.mulf %mul3A_165, %mul3A_166 : vector<200x4x4x32xf32>
    %reshape3A = vector.shape_cast %mul3A_167 : vector<200x4x4x32xf32> to vector<200x16x32xf32>
    %reduce_sum3A = arith.constant dense<0.000000e+00> : vector<200x16xf32>
    %reduce_sum3A_168 = vector.multi_reduction <add>, %reshape3A, %reduce_sum3A [2] : vector<200x16x32xf32> to vector<200x16xf32>
    %broadcast_in_dim3A_169 = vector.shape_cast %reduce_sum3A_168 : vector<200x16xf32> to vector<200x16x1xf32>
    %add3A_170 = arith.constant 1.000000e-10 : f32
    %add3A_171 = vector.broadcast %add3A_170 : f32 to vector<200x16x1xf32>
    %add3A_172 = arith.addf %broadcast_in_dim3A_169, %add3A_171 : vector<200x16x1xf32>
    %div3A_173 = vector.broadcast %add3A_172 : vector<200x16x1xf32> to vector<200x16x32xf32>
    %div3A_174 = arith.divf %reshape3A, %div3A_173 : vector<200x16x32xf32>
    %iota3A = tpu.iota {dimensions = array<i32: 0>} : vector<8x8xi32>
    %iota3A_175 = tpu.iota {dimensions = array<i32: 1>} : vector<8x8xi32>
    %eq3A = arith.cmpi eq, %iota3A, %iota3A_175 : vector<8x8xi32>
    %jit3A = arith.constant 1.000000e+00 : f32
    %jit3A_176 = arith.constant 0.000000e+00 : f32
    %broadcast_in_dim3A_177 = vector.broadcast %jit3A : f32 to vector<8x8xf32>
    %broadcast_in_dim3A_178 = vector.broadcast %jit3A_176 : f32 to vector<8x8xf32>
    %select_n3A = arith.select %eq3A, %broadcast_in_dim3A_177, %broadcast_in_dim3A_178 : vector<8x8xi1>, vector<8x8xf32>
    %reshape3A_179 = vector.shape_cast %div3A_174 : vector<200x16x32xf32> to vector<25x8x16x1x32xf32>
    %reshape3A_180 = vector.shape_cast %select_n3A : vector<8x8xf32> to vector<1x8x1x8x1xf32>
    %mul3A_181 = vector.broadcast %reshape3A_179 : vector<25x8x16x1x32xf32> to vector<25x8x16x8x32xf32>
    %mul3A_182 = vector.broadcast %reshape3A_180 : vector<1x8x1x8x1xf32> to vector<25x8x16x8x32xf32>
    %mul3A_183 = arith.mulf %mul3A_181, %mul3A_182 : vector<25x8x16x8x32xf32>
    %reshape3A_184 = vector.shape_cast %mul3A_183 : vector<25x8x16x8x32xf32> to vector<25x128x256xf32>
    %get3A_185 = arith.constant 0 : index
    %get3A_186 = arith.constant 0 : index
    %get3A_187 = arith.constant 0 : index
    %get3A_188 = vector.load %arg6[%get3A_185, %get3A_186, %get3A_187] : memref<200x32x128xf32, #tpu.memory_space<vmem>>, vector<200x32x128xf32>
    %reshape3A_189 = vector.shape_cast %get3A_188 : vector<200x32x128xf32> to vector<25x256x128xf32>
    %slice3A = vector.extract_strided_slice %reshape3A_184 {offsets = [0, 0, 0], sizes = [1, 128, 256], strides = [1, 1, 1]} : vector<25x128x256xf32> to vector<1x128x256xf32>
    %squeeze3A = vector.shape_cast %slice3A : vector<1x128x256xf32> to vector<128x256xf32>
    %slice3A_190 = vector.extract_strided_slice %reshape3A_189 {offsets = [0, 0, 0], sizes = [1, 256, 128], strides = [1, 1, 1]} : vector<25x256x128xf32> to vector<1x256x128xf32>
    %squeeze3A_191 = vector.shape_cast %slice3A_190 : vector<1x256x128xf32> to vector<256x128xf32>
    %dot_general3A = arith.constant dense<0.000000e+00> : vector<128x128xf32>
    %dot_general3A_192 = tpu.matmul %squeeze3A, %squeeze3A_191, %dot_general3A {dimension_numbers = #tpu.dot_dimension_numbers<[1], [0], [0], [1], [0, 0, 1, 1], [], []>, transpose_lhs_hint = false} : vector<128x256xf32>, vector<256x128xf32>, vector<128x128xf32> -> vector<128x128xf32>
    %slice3A_193 = vector.extract_strided_slice %reshape3A_184 {offsets = [1, 0, 0], sizes = [1, 128, 256], strides = [1, 1, 1]} : vector<25x128x256xf32> to vector<1x128x256xf32>
    %squeeze3A_194 = vector.shape_cast %slice3A_193 : vector<1x128x256xf32> to vector<128x256xf32>
    %slice3A_195 = vector.extract_strided_slice %reshape3A_189 {offsets = [1, 0, 0], sizes = [1, 256, 128], strides = [1, 1, 1]} : vector<25x256x128xf32> to vector<1x256x128xf32>
    %squeeze3A_196 = vector.shape_cast %slice3A_195 : vector<1x256x128xf32> to vector<256x128xf32>
    %dot_general3A_197 = arith.constant dense<0.000000e+00> : vector<128x128xf32>
    %dot_general3A_198 = tpu.matmul %squeeze3A_194, %squeeze3A_196, %dot_general3A_197 {dimension_numbers = #tpu.dot_dimension_numbers<[1], [0], [0], [1], [0, 0, 1, 1], [], []>, transpose_lhs_hint = false} : vector<128x256xf32>, vector<256x128xf32>, vector<128x128xf32> -> vector<128x128xf32>
    %slice3A_199 = vector.extract_strided_slice %reshape3A_184 {offsets = [2, 0, 0], sizes = [1, 128, 256], strides = [1, 1, 1]} : vector<25x128x256xf32> to vector<1x128x256xf32>
    %squeeze3A_200 = vector.shape_cast %slice3A_199 : vector<1x128x256xf32> to vector<128x256xf32>
    %slice3A_201 = vector.extract_strided_slice %reshape3A_189 {offsets = [2, 0, 0], sizes = [1, 256, 128], strides = [1, 1, 1]} : vector<25x256x128xf32> to vector<1x256x128xf32>
    %squeeze3A_202 = vector.shape_cast %slice3A_201 : vector<1x256x128xf32> to vector<256x128xf32>
    %dot_general3A_203 = arith.constant dense<0.000000e+00> : vector<128x128xf32>
    %dot_general3A_204 = tpu.matmul %squeeze3A_200, %squeeze3A_202, %dot_general3A_203 {dimension_numbers = #tpu.dot_dimension_numbers<[1], [0], [0], [1], [0, 0, 1, 1], [], []>, transpose_lhs_hint = false} : vector<128x256xf32>, vector<256x128xf32>, vector<128x128xf32> -> vector<128x128xf32>
    %slice3A_205 = vector.extract_strided_slice %reshape3A_184 {offsets = [3, 0, 0], sizes = [1, 128, 256], strides = [1, 1, 1]} : vector<25x128x256xf32> to vector<1x128x256xf32>
    %squeeze3A_206 = vector.shape_cast %slice3A_205 : vector<1x128x256xf32> to vector<128x256xf32>
    %slice3A_207 = vector.extract_strided_slice %reshape3A_189 {offsets = [3, 0, 0], sizes = [1, 256, 128], strides = [1, 1, 1]} : vector<25x256x128xf32> to vector<1x256x128xf32>
    %squeeze3A_208 = vector.shape_cast %slice3A_207 : vector<1x256x128xf32> to vector<256x128xf32>
    %dot_general3A_209 = arith.constant dense<0.000000e+00> : vector<128x128xf32>
    %dot_general3A_210 = tpu.matmul %squeeze3A_206, %squeeze3A_208, %dot_general3A_209 {dimension_numbers = #tpu.dot_dimension_numbers<[1], [0], [0], [1], [0, 0, 1, 1], [], []>, transpose_lhs_hint = false} : vector<128x256xf32>, vector<256x128xf32>, vector<128x128xf32> -> vector<128x128xf32>
    %slice3A_211 = vector.extract_strided_slice %reshape3A_184 {offsets = [4, 0, 0], sizes = [1, 128, 256], strides = [1, 1, 1]} : vector<25x128x256xf32> to vector<1x128x256xf32>
    %squeeze3A_212 = vector.shape_cast %slice3A_211 : vector<1x128x256xf32> to vector<128x256xf32>
    %slice3A_213 = vector.extract_strided_slice %reshape3A_189 {offsets = [4, 0, 0], sizes = [1, 256, 128], strides = [1, 1, 1]} : vector<25x256x128xf32> to vector<1x256x128xf32>
    %squeeze3A_214 = vector.shape_cast %slice3A_213 : vector<1x256x128xf32> to vector<256x128xf32>
    %dot_general3A_215 = arith.constant dense<0.000000e+00> : vector<128x128xf32>
    %dot_general3A_216 = tpu.matmul %squeeze3A_212, %squeeze3A_214, %dot_general3A_215 {dimension_numbers = #tpu.dot_dimension_numbers<[1], [0], [0], [1], [0, 0, 1, 1], [], []>, transpose_lhs_hint = false} : vector<128x256xf32>, vector<256x128xf32>, vector<128x128xf32> -> vector<128x128xf32>
    %slice3A_217 = vector.extract_strided_slice %reshape3A_184 {offsets = [5, 0, 0], sizes = [1, 128, 256], strides = [1, 1, 1]} : vector<25x128x256xf32> to vector<1x128x256xf32>
    %squeeze3A_218 = vector.shape_cast %slice3A_217 : vector<1x128x256xf32> to vector<128x256xf32>
    %slice3A_219 = vector.extract_strided_slice %reshape3A_189 {offsets = [5, 0, 0], sizes = [1, 256, 128], strides = [1, 1, 1]} : vector<25x256x128xf32> to vector<1x256x128xf32>
    %squeeze3A_220 = vector.shape_cast %slice3A_219 : vector<1x256x128xf32> to vector<256x128xf32>
    %dot_general3A_221 = arith.constant dense<0.000000e+00> : vector<128x128xf32>
    %dot_general3A_222 = tpu.matmul %squeeze3A_218, %squeeze3A_220, %dot_general3A_221 {dimension_numbers = #tpu.dot_dimension_numbers<[1], [0], [0], [1], [0, 0, 1, 1], [], []>, transpose_lhs_hint = false} : vector<128x256xf32>, vector<256x128xf32>, vector<128x128xf32> -> vector<128x128xf32>
    %slice3A_223 = vector.extract_strided_slice %reshape3A_184 {offsets = [6, 0, 0], sizes = [1, 128, 256], strides = [1, 1, 1]} : vector<25x128x256xf32> to vector<1x128x256xf32>
    %squeeze3A_224 = vector.shape_cast %slice3A_223 : vector<1x128x256xf32> to vector<128x256xf32>
    %slice3A_225 = vector.extract_strided_slice %reshape3A_189 {offsets = [6, 0, 0], sizes = [1, 256, 128], strides = [1, 1, 1]} : vector<25x256x128xf32> to vector<1x256x128xf32>
    %squeeze3A_226 = vector.shape_cast %slice3A_225 : vector<1x256x128xf32> to vector<256x128xf32>
    %dot_general3A_227 = arith.constant dense<0.000000e+00> : vector<128x128xf32>
    %dot_general3A_228 = tpu.matmul %squeeze3A_224, %squeeze3A_226, %dot_general3A_227 {dimension_numbers = #tpu.dot_dimension_numbers<[1], [0], [0], [1], [0, 0, 1, 1], [], []>, transpose_lhs_hint = false} : vector<128x256xf32>, vector<256x128xf32>, vector<128x128xf32> -> vector<128x128xf32>
    %slice3A_229 = vector.extract_strided_slice %reshape3A_184 {offsets = [7, 0, 0], sizes = [1, 128, 256], strides = [1, 1, 1]} : vector<25x128x256xf32> to vector<1x128x256xf32>
    %squeeze3A_230 = vector.shape_cast %slice3A_229 : vector<1x128x256xf32> to vector<128x256xf32>
    %slice3A_231 = vector.extract_strided_slice %reshape3A_189 {offsets = [7, 0, 0], sizes = [1, 256, 128], strides = [1, 1, 1]} : vector<25x256x128xf32> to vector<1x256x128xf32>
    %squeeze3A_232 = vector.shape_cast %slice3A_231 : vector<1x256x128xf32> to vector<256x128xf32>
    %dot_general3A_233 = arith.constant dense<0.000000e+00> : vector<128x128xf32>
    %dot_general3A_234 = tpu.matmul %squeeze3A_230, %squeeze3A_232, %dot_general3A_233 {dimension_numbers = #tpu.dot_dimension_numbers<[1], [0], [0], [1], [0, 0, 1, 1], [], []>, transpose_lhs_hint = false} : vector<128x256xf32>, vector<256x128xf32>, vector<128x128xf32> -> vector<128x128xf32>
    %slice3A_235 = vector.extract_strided_slice %reshape3A_184 {offsets = [8, 0, 0], sizes = [1, 128, 256], strides = [1, 1, 1]} : vector<25x128x256xf32> to vector<1x128x256xf32>
    %squeeze3A_236 = vector.shape_cast %slice3A_235 : vector<1x128x256xf32> to vector<128x256xf32>
    %slice3A_237 = vector.extract_strided_slice %reshape3A_189 {offsets = [8, 0, 0], sizes = [1, 256, 128], strides = [1, 1, 1]} : vector<25x256x128xf32> to vector<1x256x128xf32>
    %squeeze3A_238 = vector.shape_cast %slice3A_237 : vector<1x256x128xf32> to vector<256x128xf32>
    %dot_general3A_239 = arith.constant dense<0.000000e+00> : vector<128x128xf32>
    %dot_general3A_240 = tpu.matmul %squeeze3A_236, %squeeze3A_238, %dot_general3A_239 {dimension_numbers = #tpu.dot_dimension_numbers<[1], [0], [0], [1], [0, 0, 1, 1], [], []>, transpose_lhs_hint = false} : vector<128x256xf32>, vector<256x128xf32>, vector<128x128xf32> -> vector<128x128xf32>
    %slice3A_241 = vector.extract_strided_slice %reshape3A_184 {offsets = [9, 0, 0], sizes = [1, 128, 256], strides = [1, 1, 1]} : vector<25x128x256xf32> to vector<1x128x256xf32>
    %squeeze3A_242 = vector.shape_cast %slice3A_241 : vector<1x128x256xf32> to vector<128x256xf32>
    %slice3A_243 = vector.extract_strided_slice %reshape3A_189 {offsets = [9, 0, 0], sizes = [1, 256, 128], strides = [1, 1, 1]} : vector<25x256x128xf32> to vector<1x256x128xf32>
    %squeeze3A_244 = vector.shape_cast %slice3A_243 : vector<1x256x128xf32> to vector<256x128xf32>
    %dot_general3A_245 = arith.constant dense<0.000000e+00> : vector<128x128xf32>
    %dot_general3A_246 = tpu.matmul %squeeze3A_242, %squeeze3A_244, %dot_general3A_245 {dimension_numbers = #tpu.dot_dimension_numbers<[1], [0], [0], [1], [0, 0, 1, 1], [], []>, transpose_lhs_hint = false} : vector<128x256xf32>, vector<256x128xf32>, vector<128x128xf32> -> vector<128x128xf32>
    %slice3A_247 = vector.extract_strided_slice %reshape3A_184 {offsets = [10, 0, 0], sizes = [1, 128, 256], strides = [1, 1, 1]} : vector<25x128x256xf32> to vector<1x128x256xf32>
    %squeeze3A_248 = vector.shape_cast %slice3A_247 : vector<1x128x256xf32> to vector<128x256xf32>
    %slice3A_249 = vector.extract_strided_slice %reshape3A_189 {offsets = [10, 0, 0], sizes = [1, 256, 128], strides = [1, 1, 1]} : vector<25x256x128xf32> to vector<1x256x128xf32>
    %squeeze3A_250 = vector.shape_cast %slice3A_249 : vector<1x256x128xf32> to vector<256x128xf32>
    %dot_general3A_251 = arith.constant dense<0.000000e+00> : vector<128x128xf32>
    %dot_general3A_252 = tpu.matmul %squeeze3A_248, %squeeze3A_250, %dot_general3A_251 {dimension_numbers = #tpu.dot_dimension_numbers<[1], [0], [0], [1], [0, 0, 1, 1], [], []>, transpose_lhs_hint = false} : vector<128x256xf32>, vector<256x128xf32>, vector<128x128xf32> -> vector<128x128xf32>
    %slice3A_253 = vector.extract_strided_slice %reshape3A_184 {offsets = [11, 0, 0], sizes = [1, 128, 256], strides = [1, 1, 1]} : vector<25x128x256xf32> to vector<1x128x256xf32>
    %squeeze3A_254 = vector.shape_cast %slice3A_253 : vector<1x128x256xf32> to vector<128x256xf32>
    %slice3A_255 = vector.extract_strided_slice %reshape3A_189 {offsets = [11, 0, 0], sizes = [1, 256, 128], strides = [1, 1, 1]} : vector<25x256x128xf32> to vector<1x256x128xf32>
    %squeeze3A_256 = vector.shape_cast %slice3A_255 : vector<1x256x128xf32> to vector<256x128xf32>
    %dot_general3A_257 = arith.constant dense<0.000000e+00> : vector<128x128xf32>
    %dot_general3A_258 = tpu.matmul %squeeze3A_254, %squeeze3A_256, %dot_general3A_257 {dimension_numbers = #tpu.dot_dimension_numbers<[1], [0], [0], [1], [0, 0, 1, 1], [], []>, transpose_lhs_hint = false} : vector<128x256xf32>, vector<256x128xf32>, vector<128x128xf32> -> vector<128x128xf32>
    %slice3A_259 = vector.extract_strided_slice %reshape3A_184 {offsets = [12, 0, 0], sizes = [1, 128, 256], strides = [1, 1, 1]} : vector<25x128x256xf32> to vector<1x128x256xf32>
    %squeeze3A_260 = vector.shape_cast %slice3A_259 : vector<1x128x256xf32> to vector<128x256xf32>
    %slice3A_261 = vector.extract_strided_slice %reshape3A_189 {offsets = [12, 0, 0], sizes = [1, 256, 128], strides = [1, 1, 1]} : vector<25x256x128xf32> to vector<1x256x128xf32>
    %squeeze3A_262 = vector.shape_cast %slice3A_261 : vector<1x256x128xf32> to vector<256x128xf32>
    %dot_general3A_263 = arith.constant dense<0.000000e+00> : vector<128x128xf32>
    %dot_general3A_264 = tpu.matmul %squeeze3A_260, %squeeze3A_262, %dot_general3A_263 {dimension_numbers = #tpu.dot_dimension_numbers<[1], [0], [0], [1], [0, 0, 1, 1], [], []>, transpose_lhs_hint = false} : vector<128x256xf32>, vector<256x128xf32>, vector<128x128xf32> -> vector<128x128xf32>
    %slice3A_265 = vector.extract_strided_slice %reshape3A_184 {offsets = [13, 0, 0], sizes = [1, 128, 256], strides = [1, 1, 1]} : vector<25x128x256xf32> to vector<1x128x256xf32>
    %squeeze3A_266 = vector.shape_cast %slice3A_265 : vector<1x128x256xf32> to vector<128x256xf32>
    %slice3A_267 = vector.extract_strided_slice %reshape3A_189 {offsets = [13, 0, 0], sizes = [1, 256, 128], strides = [1, 1, 1]} : vector<25x256x128xf32> to vector<1x256x128xf32>
    %squeeze3A_268 = vector.shape_cast %slice3A_267 : vector<1x256x128xf32> to vector<256x128xf32>
    %dot_general3A_269 = arith.constant dense<0.000000e+00> : vector<128x128xf32>
    %dot_general3A_270 = tpu.matmul %squeeze3A_266, %squeeze3A_268, %dot_general3A_269 {dimension_numbers = #tpu.dot_dimension_numbers<[1], [0], [0], [1], [0, 0, 1, 1], [], []>, transpose_lhs_hint = false} : vector<128x256xf32>, vector<256x128xf32>, vector<128x128xf32> -> vector<128x128xf32>
    %slice3A_271 = vector.extract_strided_slice %reshape3A_184 {offsets = [14, 0, 0], sizes = [1, 128, 256], strides = [1, 1, 1]} : vector<25x128x256xf32> to vector<1x128x256xf32>
    %squeeze3A_272 = vector.shape_cast %slice3A_271 : vector<1x128x256xf32> to vector<128x256xf32>
    %slice3A_273 = vector.extract_strided_slice %reshape3A_189 {offsets = [14, 0, 0], sizes = [1, 256, 128], strides = [1, 1, 1]} : vector<25x256x128xf32> to vector<1x256x128xf32>
    %squeeze3A_274 = vector.shape_cast %slice3A_273 : vector<1x256x128xf32> to vector<256x128xf32>
    %dot_general3A_275 = arith.constant dense<0.000000e+00> : vector<128x128xf32>
    %dot_general3A_276 = tpu.matmul %squeeze3A_272, %squeeze3A_274, %dot_general3A_275 {dimension_numbers = #tpu.dot_dimension_numbers<[1], [0], [0], [1], [0, 0, 1, 1], [], []>, transpose_lhs_hint = false} : vector<128x256xf32>, vector<256x128xf32>, vector<128x128xf32> -> vector<128x128xf32>
    %slice3A_277 = vector.extract_strided_slice %reshape3A_184 {offsets = [15, 0, 0], sizes = [1, 128, 256], strides = [1, 1, 1]} : vector<25x128x256xf32> to vector<1x128x256xf32>
    %squeeze3A_278 = vector.shape_cast %slice3A_277 : vector<1x128x256xf32> to vector<128x256xf32>
    %slice3A_279 = vector.extract_strided_slice %reshape3A_189 {offsets = [15, 0, 0], sizes = [1, 256, 128], strides = [1, 1, 1]} : vector<25x256x128xf32> to vector<1x256x128xf32>
    %squeeze3A_280 = vector.shape_cast %slice3A_279 : vector<1x256x128xf32> to vector<256x128xf32>
    %dot_general3A_281 = arith.constant dense<0.000000e+00> : vector<128x128xf32>
    %dot_general3A_282 = tpu.matmul %squeeze3A_278, %squeeze3A_280, %dot_general3A_281 {dimension_numbers = #tpu.dot_dimension_numbers<[1], [0], [0], [1], [0, 0, 1, 1], [], []>, transpose_lhs_hint = false} : vector<128x256xf32>, vector<256x128xf32>, vector<128x128xf32> -> vector<128x128xf32>
    %slice3A_283 = vector.extract_strided_slice %reshape3A_184 {offsets = [16, 0, 0], sizes = [1, 128, 256], strides = [1, 1, 1]} : vector<25x128x256xf32> to vector<1x128x256xf32>
    %squeeze3A_284 = vector.shape_cast %slice3A_283 : vector<1x128x256xf32> to vector<128x256xf32>
    %slice3A_285 = vector.extract_strided_slice %reshape3A_189 {offsets = [16, 0, 0], sizes = [1, 256, 128], strides = [1, 1, 1]} : vector<25x256x128xf32> to vector<1x256x128xf32>
    %squeeze3A_286 = vector.shape_cast %slice3A_285 : vector<1x256x128xf32> to vector<256x128xf32>
    %dot_general3A_287 = arith.constant dense<0.000000e+00> : vector<128x128xf32>
    %dot_general3A_288 = tpu.matmul %squeeze3A_284, %squeeze3A_286, %dot_general3A_287 {dimension_numbers = #tpu.dot_dimension_numbers<[1], [0], [0], [1], [0, 0, 1, 1], [], []>, transpose_lhs_hint = false} : vector<128x256xf32>, vector<256x128xf32>, vector<128x128xf32> -> vector<128x128xf32>
    %slice3A_289 = vector.extract_strided_slice %reshape3A_184 {offsets = [17, 0, 0], sizes = [1, 128, 256], strides = [1, 1, 1]} : vector<25x128x256xf32> to vector<1x128x256xf32>
    %squeeze3A_290 = vector.shape_cast %slice3A_289 : vector<1x128x256xf32> to vector<128x256xf32>
    %slice3A_291 = vector.extract_strided_slice %reshape3A_189 {offsets = [17, 0, 0], sizes = [1, 256, 128], strides = [1, 1, 1]} : vector<25x256x128xf32> to vector<1x256x128xf32>
    %squeeze3A_292 = vector.shape_cast %slice3A_291 : vector<1x256x128xf32> to vector<256x128xf32>
    %dot_general3A_293 = arith.constant dense<0.000000e+00> : vector<128x128xf32>
    %dot_general3A_294 = tpu.matmul %squeeze3A_290, %squeeze3A_292, %dot_general3A_293 {dimension_numbers = #tpu.dot_dimension_numbers<[1], [0], [0], [1], [0, 0, 1, 1], [], []>, transpose_lhs_hint = false} : vector<128x256xf32>, vector<256x128xf32>, vector<128x128xf32> -> vector<128x128xf32>
    %slice3A_295 = vector.extract_strided_slice %reshape3A_184 {offsets = [18, 0, 0], sizes = [1, 128, 256], strides = [1, 1, 1]} : vector<25x128x256xf32> to vector<1x128x256xf32>
    %squeeze3A_296 = vector.shape_cast %slice3A_295 : vector<1x128x256xf32> to vector<128x256xf32>
    %slice3A_297 = vector.extract_strided_slice %reshape3A_189 {offsets = [18, 0, 0], sizes = [1, 256, 128], strides = [1, 1, 1]} : vector<25x256x128xf32> to vector<1x256x128xf32>
    %squeeze3A_298 = vector.shape_cast %slice3A_297 : vector<1x256x128xf32> to vector<256x128xf32>
    %dot_general3A_299 = arith.constant dense<0.000000e+00> : vector<128x128xf32>
    %dot_general3A_300 = tpu.matmul %squeeze3A_296, %squeeze3A_298, %dot_general3A_299 {dimension_numbers = #tpu.dot_dimension_numbers<[1], [0], [0], [1], [0, 0, 1, 1], [], []>, transpose_lhs_hint = false} : vector<128x256xf32>, vector<256x128xf32>, vector<128x128xf32> -> vector<128x128xf32>
    %slice3A_301 = vector.extract_strided_slice %reshape3A_184 {offsets = [19, 0, 0], sizes = [1, 128, 256], strides = [1, 1, 1]} : vector<25x128x256xf32> to vector<1x128x256xf32>
    %squeeze3A_302 = vector.shape_cast %slice3A_301 : vector<1x128x256xf32> to vector<128x256xf32>
    %slice3A_303 = vector.extract_strided_slice %reshape3A_189 {offsets = [19, 0, 0], sizes = [1, 256, 128], strides = [1, 1, 1]} : vector<25x256x128xf32> to vector<1x256x128xf32>
    %squeeze3A_304 = vector.shape_cast %slice3A_303 : vector<1x256x128xf32> to vector<256x128xf32>
    %dot_general3A_305 = arith.constant dense<0.000000e+00> : vector<128x128xf32>
    %dot_general3A_306 = tpu.matmul %squeeze3A_302, %squeeze3A_304, %dot_general3A_305 {dimension_numbers = #tpu.dot_dimension_numbers<[1], [0], [0], [1], [0, 0, 1, 1], [], []>, transpose_lhs_hint = false} : vector<128x256xf32>, vector<256x128xf32>, vector<128x128xf32> -> vector<128x128xf32>
    %slice3A_307 = vector.extract_strided_slice %reshape3A_184 {offsets = [20, 0, 0], sizes = [1, 128, 256], strides = [1, 1, 1]} : vector<25x128x256xf32> to vector<1x128x256xf32>
    %squeeze3A_308 = vector.shape_cast %slice3A_307 : vector<1x128x256xf32> to vector<128x256xf32>
    %slice3A_309 = vector.extract_strided_slice %reshape3A_189 {offsets = [20, 0, 0], sizes = [1, 256, 128], strides = [1, 1, 1]} : vector<25x256x128xf32> to vector<1x256x128xf32>
    %squeeze3A_310 = vector.shape_cast %slice3A_309 : vector<1x256x128xf32> to vector<256x128xf32>
    %dot_general3A_311 = arith.constant dense<0.000000e+00> : vector<128x128xf32>
    %dot_general3A_312 = tpu.matmul %squeeze3A_308, %squeeze3A_310, %dot_general3A_311 {dimension_numbers = #tpu.dot_dimension_numbers<[1], [0], [0], [1], [0, 0, 1, 1], [], []>, transpose_lhs_hint = false} : vector<128x256xf32>, vector<256x128xf32>, vector<128x128xf32> -> vector<128x128xf32>
    %slice3A_313 = vector.extract_strided_slice %reshape3A_184 {offsets = [21, 0, 0], sizes = [1, 128, 256], strides = [1, 1, 1]} : vector<25x128x256xf32> to vector<1x128x256xf32>
    %squeeze3A_314 = vector.shape_cast %slice3A_313 : vector<1x128x256xf32> to vector<128x256xf32>
    %slice3A_315 = vector.extract_strided_slice %reshape3A_189 {offsets = [21, 0, 0], sizes = [1, 256, 128], strides = [1, 1, 1]} : vector<25x256x128xf32> to vector<1x256x128xf32>
    %squeeze3A_316 = vector.shape_cast %slice3A_315 : vector<1x256x128xf32> to vector<256x128xf32>
    %dot_general3A_317 = arith.constant dense<0.000000e+00> : vector<128x128xf32>
    %dot_general3A_318 = tpu.matmul %squeeze3A_314, %squeeze3A_316, %dot_general3A_317 {dimension_numbers = #tpu.dot_dimension_numbers<[1], [0], [0], [1], [0, 0, 1, 1], [], []>, transpose_lhs_hint = false} : vector<128x256xf32>, vector<256x128xf32>, vector<128x128xf32> -> vector<128x128xf32>
    %slice3A_319 = vector.extract_strided_slice %reshape3A_184 {offsets = [22, 0, 0], sizes = [1, 128, 256], strides = [1, 1, 1]} : vector<25x128x256xf32> to vector<1x128x256xf32>
    %squeeze3A_320 = vector.shape_cast %slice3A_319 : vector<1x128x256xf32> to vector<128x256xf32>
    %slice3A_321 = vector.extract_strided_slice %reshape3A_189 {offsets = [22, 0, 0], sizes = [1, 256, 128], strides = [1, 1, 1]} : vector<25x256x128xf32> to vector<1x256x128xf32>
    %squeeze3A_322 = vector.shape_cast %slice3A_321 : vector<1x256x128xf32> to vector<256x128xf32>
    %dot_general3A_323 = arith.constant dense<0.000000e+00> : vector<128x128xf32>
    %dot_general3A_324 = tpu.matmul %squeeze3A_320, %squeeze3A_322, %dot_general3A_323 {dimension_numbers = #tpu.dot_dimension_numbers<[1], [0], [0], [1], [0, 0, 1, 1], [], []>, transpose_lhs_hint = false} : vector<128x256xf32>, vector<256x128xf32>, vector<128x128xf32> -> vector<128x128xf32>
    %slice3A_325 = vector.extract_strided_slice %reshape3A_184 {offsets = [23, 0, 0], sizes = [1, 128, 256], strides = [1, 1, 1]} : vector<25x128x256xf32> to vector<1x128x256xf32>
    %squeeze3A_326 = vector.shape_cast %slice3A_325 : vector<1x128x256xf32> to vector<128x256xf32>
    %slice3A_327 = vector.extract_strided_slice %reshape3A_189 {offsets = [23, 0, 0], sizes = [1, 256, 128], strides = [1, 1, 1]} : vector<25x256x128xf32> to vector<1x256x128xf32>
    %squeeze3A_328 = vector.shape_cast %slice3A_327 : vector<1x256x128xf32> to vector<256x128xf32>
    %dot_general3A_329 = arith.constant dense<0.000000e+00> : vector<128x128xf32>
    %dot_general3A_330 = tpu.matmul %squeeze3A_326, %squeeze3A_328, %dot_general3A_329 {dimension_numbers = #tpu.dot_dimension_numbers<[1], [0], [0], [1], [0, 0, 1, 1], [], []>, transpose_lhs_hint = false} : vector<128x256xf32>, vector<256x128xf32>, vector<128x128xf32> -> vector<128x128xf32>
    %slice3A_331 = vector.extract_strided_slice %reshape3A_184 {offsets = [24, 0, 0], sizes = [1, 128, 256], strides = [1, 1, 1]} : vector<25x128x256xf32> to vector<1x128x256xf32>
    %squeeze3A_332 = vector.shape_cast %slice3A_331 : vector<1x128x256xf32> to vector<128x256xf32>
    %slice3A_333 = vector.extract_strided_slice %reshape3A_189 {offsets = [24, 0, 0], sizes = [1, 256, 128], strides = [1, 1, 1]} : vector<25x256x128xf32> to vector<1x256x128xf32>
    %squeeze3A_334 = vector.shape_cast %slice3A_333 : vector<1x256x128xf32> to vector<256x128xf32>
    %dot_general3A_335 = arith.constant dense<0.000000e+00> : vector<128x128xf32>
    %dot_general3A_336 = tpu.matmul %squeeze3A_332, %squeeze3A_334, %dot_general3A_335 {dimension_numbers = #tpu.dot_dimension_numbers<[1], [0], [0], [1], [0, 0, 1, 1], [], []>, transpose_lhs_hint = false} : vector<128x256xf32>, vector<256x128xf32>, vector<128x128xf32> -> vector<128x128xf32>
    %stack3A_337 = vector.shape_cast %dot_general3A_192 : vector<128x128xf32> to vector<1x128x128xf32>
    %stack3A_338 = vector.shape_cast %dot_general3A_198 : vector<128x128xf32> to vector<1x128x128xf32>
    %stack3A_339 = vector.shape_cast %dot_general3A_204 : vector<128x128xf32> to vector<1x128x128xf32>
    %stack3A_340 = vector.shape_cast %dot_general3A_210 : vector<128x128xf32> to vector<1x128x128xf32>
    %stack3A_341 = vector.shape_cast %dot_general3A_216 : vector<128x128xf32> to vector<1x128x128xf32>
    %stack3A_342 = vector.shape_cast %dot_general3A_222 : vector<128x128xf32> to vector<1x128x128xf32>
    %stack3A_343 = vector.shape_cast %dot_general3A_228 : vector<128x128xf32> to vector<1x128x128xf32>
    %stack3A_344 = vector.shape_cast %dot_general3A_234 : vector<128x128xf32> to vector<1x128x128xf32>
    %stack3A_345 = vector.shape_cast %dot_general3A_240 : vector<128x128xf32> to vector<1x128x128xf32>
    %stack3A_346 = vector.shape_cast %dot_general3A_246 : vector<128x128xf32> to vector<1x128x128xf32>
    %stack3A_347 = vector.shape_cast %dot_general3A_252 : vector<128x128xf32> to vector<1x128x128xf32>
    %stack3A_348 = vector.shape_cast %dot_general3A_258 : vector<128x128xf32> to vector<1x128x128xf32>
    %stack3A_349 = vector.shape_cast %dot_general3A_264 : vector<128x128xf32> to vector<1x128x128xf32>
    %stack3A_350 = vector.shape_cast %dot_general3A_270 : vector<128x128xf32> to vector<1x128x128xf32>
    %stack3A_351 = vector.shape_cast %dot_general3A_276 : vector<128x128xf32> to vector<1x128x128xf32>
    %stack3A_352 = vector.shape_cast %dot_general3A_282 : vector<128x128xf32> to vector<1x128x128xf32>
    %stack3A_353 = vector.shape_cast %dot_general3A_288 : vector<128x128xf32> to vector<1x128x128xf32>
    %stack3A_354 = vector.shape_cast %dot_general3A_294 : vector<128x128xf32> to vector<1x128x128xf32>
    %stack3A_355 = vector.shape_cast %dot_general3A_300 : vector<128x128xf32> to vector<1x128x128xf32>
    %stack3A_356 = vector.shape_cast %dot_general3A_306 : vector<128x128xf32> to vector<1x128x128xf32>
    %stack3A_357 = vector.shape_cast %dot_general3A_312 : vector<128x128xf32> to vector<1x128x128xf32>
    %stack3A_358 = vector.shape_cast %dot_general3A_318 : vector<128x128xf32> to vector<1x128x128xf32>
    %stack3A_359 = vector.shape_cast %dot_general3A_324 : vector<128x128xf32> to vector<1x128x128xf32>
    %stack3A_360 = vector.shape_cast %dot_general3A_330 : vector<128x128xf32> to vector<1x128x128xf32>
    %stack3A_361 = vector.shape_cast %dot_general3A_336 : vector<128x128xf32> to vector<1x128x128xf32>
    %stack3A_362 = tpu.concatenate %stack3A_337, %stack3A_338, %stack3A_339, %stack3A_340, %stack3A_341, %stack3A_342, %stack3A_343, %stack3A_344, %stack3A_345, %stack3A_346, %stack3A_347, %stack3A_348, %stack3A_349, %stack3A_350, %stack3A_351, %stack3A_352, %stack3A_353, %stack3A_354, %stack3A_355, %stack3A_356, %stack3A_357, %stack3A_358, %stack3A_359, %stack3A_360, %stack3A_361 in 0 : vector<1x128x128xf32>, vector<1x128x128xf32>, vector<1x128x128xf32>, vector<1x128x128xf32>, vector<1x128x128xf32>, vector<1x128x128xf32>, vector<1x128x128xf32>, vector<1x128x128xf32>, vector<1x128x128xf32>, vector<1x128x128xf32>, vector<1x128x128xf32>, vector<1x128x128xf32>, vector<1x128x128xf32>, vector<1x128x128xf32>, vector<1x128x128xf32>, vector<1x128x128xf32>, vector<1x128x128xf32>, vector<1x128x128xf32>, vector<1x128x128xf32>, vector<1x128x128xf32>, vector<1x128x128xf32>, vector<1x128x128xf32>, vector<1x128x128xf32>, vector<1x128x128xf32>, vector<1x128x128xf32> -> vector<25x128x128xf32>
    %reshape3A_363 = vector.shape_cast %stack3A_362 : vector<25x128x128xf32> to vector<200x16x128xf32>
    %swap3A = arith.constant 0 : index
    %swap3A_364 = arith.constant 0 : index
    %swap3A_365 = arith.constant 0 : index
    %swap3A_366 = vector.load %arg7[%swap3A, %swap3A_364, %swap3A_365] : memref<200x16x128xf32, #tpu.memory_space<vmem>>, vector<200x16x128xf32>
    tpu.vector_store %arg7[%swap3A, %swap3A_364, %swap3A_365], %reshape3A_363 {strides = array<i32>} : memref<200x16x128xf32, #tpu.memory_space<vmem>>, vector<200x16x128xf32>,
    return
  }
  func.func @transform_0(%arg0: i32) -> i32 {
    %c0_i32 = arith.constant 0 : i32
    %c0_i32_0 = arith.constant 0 : i32
    return %c0_i32 : i32
  }
  func.func @transform_1(%arg0: i32) -> i32 {
    %c0_i32 = arith.constant 0 : i32
    %c0_i32_0 = arith.constant 0 : i32
    return %c0_i32 : i32
  }
  func.func @transform_2(%arg0: i32) -> i32 {
    %c0_i32 = arith.constant 0 : i32
    %c0_i32_0 = arith.constant 0 : i32
    return %c0_i32 : i32
  }
  func.func @transform_3(%arg0: i32) -> (i32, i32) {
    %c0_i32 = arith.constant 0 : i32
    %c0_i32_0 = arith.constant 0 : i32
    return %arg0, %c0_i32 : i32, i32
  }
  func.func @transform_4(%arg0: i32) -> (i32, i32) {
    %c0_i32 = arith.constant 0 : i32
    %c0_i32_0 = arith.constant 0 : i32
    return %arg0, %c0_i32 : i32, i32
  }
  func.func @transform_5(%arg0: i32) -> (i32, i32, i32) {
    %c0_i32 = arith.constant 0 : i32
    %c0_i32_0 = arith.constant 0 : i32
    %c0_i32_1 = arith.constant 0 : i32
    return %arg0, %c0_i32, %c0_i32_0 : i32, i32, i32
  }
  func.func @transform_6(%arg0: i32) -> (i32, i32, i32) {
    %c0_i32 = arith.constant 0 : i32
    %c0_i32_0 = arith.constant 0 : i32
    %c0_i32_1 = arith.constant 0 : i32
    return %arg0, %c0_i32, %c0_i32_0 : i32, i32, i32
  }
}

</mosaic_0001>

<sc_bundles>
// kernel: kernel.5.cloned.1.call-start
scs
__scs_entry_jumppad:
0x0: {  	(pc) =	sbr.rel $0x88, $3  }
0x1: {  	(tag) =	ssettag $0x0;
	lr =	simm.s32 $0x1  }
0x2: {  	[smem:$0x3F9A] =	sst lr;
	_ =	strace $0xD0000000  }
0x3: {  	_ = 	snop  }
0x4: {  	_ = 	snop  }
0x5: {  	_ = 	snop  }
0x6: {  	_ = 	snop  }
0x7: {  	_ = 	snop  }
__scs_overlays_trampoline_lowered:
0x8: {  	[smem:$0x3FA9] =	sst s0  }
0x9: {  	[smem:$0x3FAA] =	sst s1  }
0xa: {  	[smem:$0x3FAB] =	sst s2  }
0xb: {  	[smem:$0x3FAC] =	sst s3  }
0xc: {  	[smem:$0x3FAD] =	sst s4  }
0xd: {  	[smem:$0x3FAE] =	sst s5  }
0xe: {  	[smem:$0x3FAF] =	sst s6  }
0xf: {  	[smem:$0x3FB0] =	sst s7  }
0x10: {  	[smem:$0x3FB1] =	sst s8  }
0x11: {  	[smem:$0x3FB2] =	sst s9;
	s0 =	simm.s32 @!p0 $0x0  }
0x12: {  	s1 =	sld [smem:$0x3F98];
	s0 =	simm.s32 @p0 $0x1  }
0x13: {  	[smem:$0x3FB3] =	sst s0;
	s0 =	simm.s32 @!p1 $0x0  }
0x14: {  	s2 =	sld [smem:$0x3F97];
	s0 =	simm.s32 @p1 $0x1  }
0x15: {  	[smem:$0x3FB4] =	sst s0;
	s0 =	simm.s32 @!p2 $0x0  }
0x16: {  	s3 =	sld [smem:$0x3FDB];
	s0 =	simm.s32 @p2 $0x1  }
0x17: {  	s4 =	simm.s32 $0x1BF5;
	[smem:$0x3FB6] =	sst s0  }
0x18: {  	s0 =	sld [smem:$0x3F99];
	_ =	swait.ge [sflag:s4], $0x0  }
0x19: {  	s7 =	sld [smem:$0x3F9A]  }
0x1a: {  	s8 =	sadd.s32 $0xFFFFE003, lr  }
0x1b: {  	s9 =	sadd.s32 $0xFFFFFEF7, lr;
	s5 =	simm.s32 $0xFFFFFFFF;
	p2 =	slt.u32 s8, $0xFFFFF086  }
0x1c: {  	p1 =	slt.u32 s9, $0xF7A;
	s5 =	simm.s32 @!p2 $0x0  }
0x1d: {  	s5 =	simm.s32 @p1 $0x1;
	p0 =	seq.s32 s7, s2  }
0x1e: {  	s7 =	smul.u32 @!p0 $0xF7A, s2;
	p2 =	seq.s32 @!p0 s5, $0x0  }
0x1f: {  	s9 =	smul.u32 $0xF7A, s1;
	s8 =	simm.s32 @!p0 $0x1BF5;
	p2 =	por !p2, p0  }
0x20: {  	[sflag:s8] =	ssyncset.s32 @!p0 $0xFFFFF086;
	s6 =	sadd.s32 @!p0 s3, s7;
	s7 =	simm.s32 @!p0 $0x108  }
0x21: {  	s3 =	sadd.s32 s3, s9;
	s6 =	sadd.s32 @!p0 $0x88, s6;
	s7 =	simm.s32 @p2 $0x1082  }
0x22: {  	[simem:s7], [sflag:s8] =	dma.local @!p0 [hbm:s6], $0xF7A  }
0x23: {  	s9 =	sor.u32 $0xD0000000, s2;
	s6 =	simm.s32 $0x108;
	_ =	swait.ge @!p0 [sflag:s8], $0x0  }
0x24: {  	s3 =	sadd.s32 $0x88, s3;
	s6 =	simm.s32 @!p1 $0x1082;
	[sflag:s4] =	ssyncset.s32 $0xFFFFF086  }
0x25: {  	[simem:s6], [sflag:s4] =	dma.local [hbm:s3], $0xF7A  }
0x26: {  	[smem:$0x3F9A] =	sst s1;
	(tag) =	ssettag s2;
	_ =	strace s9  }
0x27: {  	s1 =	sld [smem:$0x3FAA]  }
0x28: {  	s2 =	sld [smem:$0x3FAB]  }
0x29: {  	s4 =	sld [smem:$0x3FAD]  }
0x2a: {  	p0 =	seq.s32 s5, $0x0;
	s5 =	sld [smem:$0x3FAE]  }
0x2b: {  	s6 =	sld [smem:$0x3FAF]  }
0x2c: {  	s7 =	sld [smem:$0x3FB0]  }
0x2d: {  	s3 =	simm.s32 $0x108;
	s8 =	sld [smem:$0x3FB1]  }
0x2e: {  	s3 =	simm.s32 @!p0 $0x1082;
	s9 =	sld [smem:$0x3FB2]  }
0x2f: {  	lr =	sadd.s32 s0, s3;
	s0 =	sld [smem:$0x3FA9]  }
0x30: {  	s3 =	sld [smem:$0x3FAC]  }
0x31: {  	[smem:$0x3FB5] =	sst s10  }
0x32: {  	s10 =	sld [smem:$0x3FB3];
	_ =	sdelay $0x3  }
0x33: {  	p0 =	seq.s32 s10, $0x1;
	s10 =	sld [smem:$0x3FB5];
	_ =	sdelay $0x3  }
0x34: {  	[smem:$0x3FB5] =	sst s10  }
0x35: {  	s10 =	sld [smem:$0x3FB4];
	_ =	sdelay $0x3  }
0x36: {  	p1 =	seq.s32 s10, $0x1;
	s10 =	sld [smem:$0x3FB5];
	_ =	sdelay $0x3  }
0x37: {  	[smem:$0x3FB5] =	sst s10  }
0x38: {  	s10 =	sld [smem:$0x3FB6]  }
0x39: {  	_ = 	snop;
	(pc) =	sbr.ind lr, $3  }
0x3a: {  	_ = 	snop  }
0x3b: {  	_ = 	snop  }
0x3c: {  	p2 =	seq.s32 s10, $0x1;
	s10 =	sld [smem:$0x3FB5]  }
0x3d: {  	_ =	shalt  }
0x3e: {  	_ =	shalt  }
0x3f: {  	_ =	shalt  }
0x40: {  	_ =	shalt  }
0x41: {  	_ =	shalt  }
0x42: {  	_ =	shalt  }
0x43: {  	_ =	shalt  }
0x44: {  	_ =	shalt  }
0x45: {  	_ =	shalt  }
0x46: {  	_ =	shalt  }
0x47: {  	_ =	shalt  }
0x48: {  	_ =	shalt  }
0x49: {  	_ =	shalt  }
0x4a: {  	_ =	shalt  }
0x4b: {  	_ =	shalt  }
0x4c: {  	_ =	shalt  }
0x4d: {  	_ =	shalt  }
0x4e: {  	_ =	shalt  }
0x4f: {  	_ =	shalt  }
0x50: {  	_ =	shalt  }
0x51: {  	_ =	shalt  }
0x52: {  	_ =	shalt  }
0x53: {  	_ =	shalt  }
0x54: {  	_ =	shalt  }
0x55: {  	_ =	shalt  }
0x56: {  	_ =	shalt  }
0x57: {  	_ =	shalt  }
0x58: {  	_ =	shalt  }
0x59: {  	_ =	shalt  }
0x5a: {  	_ =	shalt  }
0x5b: {  	_ =	shalt  }
0x5c: {  	_ =	shalt  }
0x5d: {  	_ =	shalt  }
0x5e: {  	_ =	shalt  }
0x5f: {  	_ =	shalt  }
0x60: {  	_ =	shalt  }
0x61: {  	_ =	shalt  }
0x62: {  	_ =	shalt  }
0x63: {  	_ =	shalt  }
0x64: {  	_ =	shalt  }
0x65: {  	_ =	shalt  }
0x66: {  	_ =	shalt  }
0x67: {  	_ =	shalt  }
0x68: {  	_ =	shalt  }
0x69: {  	_ =	shalt  }
0x6a: {  	_ =	shalt  }
0x6b: {  	_ =	shalt  }
0x6c: {  	_ =	shalt  }
0x6d: {  	_ =	shalt  }
0x6e: {  	_ =	shalt  }
0x6f: {  	_ =	shalt  }
0x70: {  	_ =	shalt  }
0x71: {  	_ =	shalt  }
0x72: {  	_ =	shalt  }
0x73: {  	_ =	shalt  }
0x74: {  	_ =	shalt  }
0x75: {  	_ =	shalt  }
0x76: {  	_ =	shalt  }
0x77: {  	_ =	shalt  }
0x78: {  	_ =	shalt  }
0x79: {  	_ =	shalt  }
0x7a: {  	_ =	shalt  }
0x7b: {  	_ =	shalt  }
0x7c: {  	_ =	shalt  }
0x7d: {  	_ =	shalt  }
0x7e: {  	_ =	shalt  }
0x7f: {  	_ =	shalt  }
0x80: {  	_ =	shalt  }
0x81: {  	_ =	shalt  }
0x82: {  	_ =	shalt  }
0x83: {  	_ =	shalt  }
0x84: {  	_ =	shalt  }
0x85: {  	_ =	shalt  }
0x86: {  	_ =	shalt  }
0x87: {  	_ =	shalt  }
.Lfunc_end0:
.L_simem_size_0:
called_computation_lowered:
.L_overlay_start_0:
0x88: {  	s2 =	sld [smem:$0x3FD9]  }
0x89: {  	s3 =	sld [smem:$0x3FFE];
	_ =	sdelay $0x1  }
0x8a: {  	s1 =	srdreg.scid  }
0x8b: {  	s0 =	sand.u32 $0x1, s1  }
0x8c: {  	s17 =	sshll.u32 s0, $0xA;
	s2 =	sadd.s32 s3, s2  }
0x8d: {  	s2 =	sadd.s32 s2, s17  }
0x8e: {  	[smem:$0x3FC1] =	sst s2  }
0x8f: {  	_ = 	snop  }
0x90: {  	s2 =	sld [smem:$0x3FD0];
	(tm) =	ssettm $0x1  }
0x91: {  	s18 =	sld [smem:$0x3FFB];
	_ =	sdelay $0x3  }
0x92: {  	_ =	strace s18  }
0x93: {  	s3 =	sld [smem:$0x3FFC];
	_ =	sdelay $0x3  }
0x94: {  	_ =	strace s3  }
0x95: {  	s3 =	sld [smem:$0x3FFD];
	_ =	sdelay $0x3  }
0x96: {  	_ =	strace s3  }
0x97: {  	_ =	strace $0x8FFFFFFF  }
0x98: {  	s19 =	sld [smem:$0x3FDB];
	_ =	sdelay $0x1  }
0x99: {  	s4 =	simm.s32 $_scs_section_size  }
0x9a: {  	s5 =	simm.s32 $_size__tile_overlayer_lowered;
	s6 =	simm.s32 $_tile_overlayer_lowered  }
0x9b: {  	s22 =	simm.s32 $0x1BFF;
	s21 =	sshll.u32 s6, $0x1;
	s3 =	sadd.s32 s4, s19  }
0x9c: {  	s7 =	simm.s32 $0x0;
	s20 =	sshll.u32 s5, $0x1;
	s5 =	sadd.s32 s21, s3  }
0x9d: {  	[timem:s7], [sflag:s22] =	dma.local [hbm:s5], s20  }
0x9e: {  	_ =	swait.ge [sflag:s22], s20  }
0x9f: {  	s4 =	ssub.s32 $0x0, s20;
	[sflag:s22] =	ssyncset.done $0x0  }
0xa0: {  	[sflag:s22] =	ssyncadd.s32 s4;
	_ =	sdelay $0x1  }
0xa1: {  	s23 =	simm.s32 $0x1B8B  }
0xa2: {  	_ =	swait.ge [sflag:s23], $0x1  }
0xa3: {  	[sflag:s23] =	ssyncset.done $0x0  }
0xa4: {  	s25 =	simm.s32 $0x1B8E;
	s24 =	sld [smem:$0x3FFE];
	[sflag:s23] =	ssyncadd.s32 $0xFFFFFFFF  }
0xa5: {  	s26 =	simm.s32 $execute0_lowered;
	[smem:$0x3FD2] =	sst s25  }
0xa6: {  	s5 =	sshll.u32 s26, $0x1;
	_ =	strace $0x80000046;
	[dreg:$0x1] =	wrdreg $0xFFFFFFFF  }
0xa7: {  	s28 =	simm.s32 $_size_execute0_lowered;
	s3 =	sadd.s32 s3, s5;
	[dreg:$0x0] =	wrdreg $0x0  }
0xa8: {  	s5 =	sshll.u32 s28, $0x1;
	[dreg:$0x2] =	wrdreg s3  }
0xa9: {  	[dreg:$0x3] =	wrdreg s5  }
0xaa: {  	[dreg:$0x4] =	wrdreg $0xC0  }
0xab: {  	_ =	task [dreg:s7], $0x5FFFF  }
0xac: {  	[dreg:$0x1] =	wrdreg $0xFFFFFFFF  }
0xad: {  	[dreg:$0x0] =	wrdreg $0x60  }
0xae: {  	[dreg:$0x2] =	wrdreg s2  }
0xaf: {  	[dreg:$0x3] =	wrdreg s24  }
0xb0: {  	[dreg:$0x4] =	wrdreg $0x9  }
0xb1: {  	_ =	task.clear_ibuf [dreg:s7], $0x5FFFF;
	_ =	strace $0x90000046  }
0xb2: {  	s29 =	simm.s32 $0x9;
	_ =	strace $0x80000048  }
0xb3: {  	_ =	swait.ge [sflag:s29], $0x1  }
0xb4: {  	[sflag:s29] =	ssyncadd.s32 $0xFFFFFFFF  }
0xb5: {  	_ =	strace $0x90000048  }
0xb6: {  	_ =	sfence  }
0xb7: {  	s30 =	sld [smem:$0x0];
	_ =	sdelay $0x2  }
0xb8: {  	s31 =	sshll.u32 s1, $0xD;
	s1 =	sshrl.u32 s1, $0x2  }
0xb9: {  	s3 =	sand.u32 $0x4000, s31;
	s1 =	sadd.s32 s1, s30  }
0xba: {  	s0 =	sor.u32 s3, s0;
	s1 =	sshll.u32 s1, $0x11  }
0xbb: {  	s0 =	sor.u32 s1, s0  }
0xbc: {  	s0 =	sadd.s32 $0x8F2B, s0  }
0xbd: {  	[sflag:s0] =	ssyncadd.remote.s32 $0x1  }
0xbe: {  	_ =	sfence.sel $0xFFFF  }
0xbf: {  	[dreg:$0x0] =	wrdreg $0xFFFFFFFF;
	(pc) =	sbr.abs _section_cstart, $3  }
0xc0: {  	[dreg:$0x1] =	wrdreg $0xFFFFFFFF  }
0xc1: {  	_ =	task.clear_ibuf [dreg:s7], $0x2FFFF;
	_ =	strace $0x9FFFFFFF  }
0xc2: {  	(tm) =	ssettm $0x7FFFFFFF  }
0xc3: {  	_ =	shalt  }
tec
execute0_lowered:
.L_overlay_start_1:
0x0: {  	(tag) =	ssettag $0x1  }
0x1: {  	s2 =	rddreg [dreg:$0x0];
	s1 =	srdreg.scid  }
0x2: {  	s0 =	stileid.u32;
	s4 =	rddreg [dreg:$0x1];
	s3 =	simm.s32 $0x0  }
0x3: {  	s10 =	simm.s32 $0x1;
	s11 =	simm.s32 $0x0;
	s6 =	smul.u32 $0x4E20, s0  }
0x4: {  	s5 =	sand.u32 $0x1, s1;
	s1 =	rddreg [dreg:$0x2];
	s8 =	smul.u32 $0x4E200, s0  }
0x5: {  	[smem:$0x7FF] =	sst s3;
	s7 =	smul.u32 $0x2710, s5;
	s9 =	ssub.s32 $0x2, s5  }
0x6: {  	_ =	strace $0x80000047;
	s5 =	smul.u32 $0x27100, s5;
	s31 =	sshrl.u32 s9, $0x1  }
0x7: {  	s30 =	sadd.s32 s8, s4;
	s6 =	sadd.s32 s7, s6;
	s8 =	ssub.s32 s9, s31  }
0x8: {  	s5 =	sadd.s32 s5, s30;
	s7 =	simm.s32 $0x2;
	s6 =	sshrl.u32 s6, $0x3  }
0x9: {  	s9 =	simm.s32 $0x400;
	s5 =	sadd.s32 $0xB000, s5;
	s6 =	sadd.s32 s6, s4  }
0xa: {  	s4 =	smax.u32 s8, $0x1;
	s8 =	simm.s32 $0x3E8;
	s6 =	sadd.s32 $0x1200, s6  }
.LBB2_1:
0xb: {  	s12 =	sadd.s32 $0x0, s6  }
0xc: {  	[tilespmem:s3], [sflag:$0x2] =	stream.linear.gather [hbm4b:s12+s3], $0x3E8, $0x38;
	[tilespmem:$0x1F800] =	vst v63  }
0xd: {  	_ =	swait.ge [sflag:s7], $0x3E8  }
0xe: {  	[sflag:s7] =	ssyncset.done $0x0  }
0xf: {  	[sflag:s7] =	ssyncadd.s32 $0xFFFFFC18  }
0x10: {  	[tilespmem:s9], [sflag:$0x1] =	stream.indirect.gather [hbm4b:s2+s8], $0x80, s3, s8, $0xb8;
	[tilespmem:$0x1F800] =	vst v63  }
0x11: {  	_ =	swait.ge [sflag:s10], $0x1F400  }
0x12: {  	[sflag:s10] =	ssyncset.done $0x0  }
0x13: {  	[sflag:s10] =	ssyncadd.s32 $0xFFFE0C00  }
0x14: {  	[hbm4b:s5+s3] =	stream.linear.scatter [tilespmem:s9], [sflag:$0x2], $0x1F400, $0x38;
	[tilespmem:$0x1F800] =	vst v63  }
0x15: {  	s13 =	simm.s32 $0x7D;
	_ =	swait.ge [sflag:s7], $0x1F400  }
0x16: {  	s14 =	simm.s32 $0xFA;
	s12 =	sadd.s32 $0x3E80, s5;
	[sflag:s7] =	ssyncset.done $0x0  }
.LBB2_2:
0x17: {  	s15 =	sadd.s32 s13, s6  }
0x18: {  	[sflag:s7] =	ssyncadd.s32 $0xFFFE0C00;
	s13 =	smov.u32 s14;
	s16 =	sadd.s32 $0x7D, s14  }
0x19: {  	[tilespmem:s3], [sflag:$0x2] =	stream.linear.gather [hbm4b:s15+s3], $0x3E8, $0x38;
	[tilespmem:$0x1F800] =	vst v63  }
0x1a: {  	p0 =	sne.s32 s14, $0x465;
	_ =	swait.ge [sflag:s7], $0x3E8  }
0x1b: {  	[sflag:s7] =	ssyncset.done $0x0  }
0x1c: {  	[sflag:s7] =	ssyncadd.s32 $0xFFFFFC18  }
0x1d: {  	[tilespmem:s9], [sflag:$0x1] =	stream.indirect.gather [hbm4b:s2+s8], $0x80, s3, s8, $0xb8;
	[tilespmem:$0x1F800] =	vst v63  }
0x1e: {  	_ =	swait.ge [sflag:s10], $0x1F400  }
.Ltmp0:
0x1f: {  	[sflag:s10] =	ssyncset.done $0x0;
	(pc) =	sbr.rel @p0 .LBB2_2-.Ltmp0, $4  }
0x20: {  	[sflag:s10] =	ssyncadd.s32 $0xFFFE0C00  }
0x21: {  	[hbm4b:s12+s3] =	stream.linear.scatter [tilespmem:s9], [sflag:$0x2], $0x1F400, $0x38;
	[tilespmem:$0x1F800] =	vst v63  }
0x22: {  	_ =	swait.ge [sflag:s7], $0x1F400  }
0x23: {  	s14 =	smov.u32 s16;
	s12 =	sadd.s32 $0x3E80, s12;
	[sflag:s7] =	ssyncset.done $0x0  }
0x24: {  	s13 =	sadd.s32 s13, s6;
	[sflag:s7] =	ssyncadd.s32 $0xFFFE0C00  }
0x25: {  	[tilespmem:s3], [sflag:$0x2] =	stream.linear.gather [hbm4b:s13+s3], $0x3E8, $0x38;
	[tilespmem:$0x1F800] =	vst v63  }
0x26: {  	_ =	swait.ge [sflag:s7], $0x3E8  }
0x27: {  	[sflag:s7] =	ssyncset.done $0x0  }
0x28: {  	[sflag:s7] =	ssyncadd.s32 $0xFFFFFC18  }
0x29: {  	[tilespmem:s9], [sflag:$0x1] =	stream.indirect.gather [hbm4b:s2+s8], $0x80, s3, s8, $0xb8;
	[tilespmem:$0x1F800] =	vst v63  }
0x2a: {  	s11 =	sadd.s32 $0x1, s11;
	_ =	swait.ge [sflag:s10], $0x1F400  }
0x2b: {  	p0 =	sne.s32 s11, s4;
	[sflag:s10] =	ssyncset.done $0x0  }
.Ltmp1:
0x2c: {  	[sflag:s10] =	ssyncadd.s32 $0xFFFE0C00;
	(pc) =	sbr.rel @p0 .LBB2_1-.Ltmp1, $4  }
0x2d: {  	[hbm4b:s12+s3] =	stream.linear.scatter [tilespmem:s9], [sflag:$0x2], $0x1F400, $0x38;
	[tilespmem:$0x1F800] =	vst v63  }
0x2e: {  	_ =	swait.ge [sflag:s7], $0x1F400  }
0x2f: {  	[sflag:s7] =	ssyncset.done $0x0  }
0x30: {  	[sflag:s7] =	ssyncadd.s32 $0xFFFE0C00  }
0x31: {  	_ =	sfence.sel $0x180000  }
0x32: {  	[bflag:$0x0] =	sbarrier.arrive $0xFFFF  }
0x33: {  	p0 =	sne.s32 s0, $0x0;
	_ =	strace $0x90000047  }
0x34: {  	s0 =	sadd.s32 @!p0 $0x100000, s1;
	[bflag:$0x2] =	sbarrier.arrive $0xFFFF  }
0x35: {  	[sflag:s0] =	ssyncadd.tile.s32 @!p0 $0x1;
	_ =	shalt  }
.Lfunc_end2:
_tile_overlayer_lowered:
.L_overlay_start_2:
0x36: {  	(tag) =	ssettag $0x2  }
0x37: {  	s0 =	rddreg [dreg:$0x0];
	s2 =	stileid.u32  }
0x38: {  	s1 =	rddreg [dreg:$0x1];
	p0 =	sne.s32 s2, $0x0  }
0x39: {  	s3 =	rddreg [dreg:$0x2];
	[bflag:$0x3] =	sbarrier.arrive $0xFFFF;
	s2 =	simm.s32 @!p0 $0x1C02  }
0x3a: {  	[timem:s3], [sflag:s2] =	dma.local @!p0 [hbm:s0], s1  }
0x3b: {  	s0 =	simm.s32 @!p0 $0x2  }
0x3c: {  	_ =	swait.ge @!p0 [sflag:s0], s1  }
0x3d: {  	s1 =	ssub.s32 @!p0 $0x0, s1;
	[sflag:s0] =	ssyncset.done @!p0 $0x0  }
0x3e: {  	[sflag:s0] =	ssyncadd.s32 @!p0 s1  }
0x3f: {  	[bflag:$0x3] =	sbarrier.arrive $0xFFFF  }
0x40: {  	_ =	shalt  }

</sc_bundles>
